<compile_context>
chip_gen: v7x
topology: tpu7x:2x2x1
jax: 0.10.2.dev20260603
libtpu: 0.0.44.dev20260713+nightly
codegen_flags: <defaults>
</compile_context>

<pallas_src>
import functools

import jax
import jax.numpy as jnp
from jax import lax
from jax.experimental import pallas as pl
from jax.experimental.pallas import tpu as pltpu
from jax.experimental.pallas import tpu_sc as plsc

D = 1024
B = 4 * 8192
NC, NS = 2, 16
NW = NC * NS
BPW = B // NW
C = 56
NBUF = 2
NFCH = BPW // C
RING = NFCH // NBUF
REM = BPW - NFCH * C


def _gather(table, idx):
  mesh = plsc.VectorSubcoreMesh(core_axis_name="c", subcore_axis_name="s")

  @functools.partial(
      pl.kernel,
      out_type=jax.ShapeDtypeStruct((B, D), jnp.float32),
      mesh=mesh,
      scratch_types=[
          pltpu.VMEM((BPW,), jnp.int32),
          [pltpu.VMEM((C, D), jnp.float32) for _ in range(NBUF)],
          [pltpu.SemaphoreType.DMA for _ in range(NBUF)],
          [pltpu.SemaphoreType.DMA for _ in range(NBUF)],
      ],
  )
  def k(table_hbm, idx_hbm, out_hbm, idx_v, rows, si, so):
    wid = lax.axis_index("s") * NC + lax.axis_index("c")
    base = wid * BPW
    pltpu.sync_copy(idx_hbm.at[pl.ds(base, BPW)], idx_v)

    def gather(row, b, n=C):
      pltpu.async_copy(table_hbm.at[idx_v.at[pl.ds(row, n)]],
                       rows[b].at[pl.ds(0, n)], si[b])

    def put(row, b, n=C):
      pltpu.async_copy(rows[b].at[pl.ds(0, n)],
                       out_hbm.at[pl.ds(base + row, n)], so[b])

    def wait(b, sem, n=C):
      pltpu.make_async_copy(table_hbm.at[pl.ds(0, n)],
                            rows[b].at[pl.ds(0, n)], sem[b]).wait()

    gather(NFCH * C, 1, REM)
    gather(0, 0)
    wait(1, si, REM)
    put(NFCH * C, 1, REM)
    wait(1, so, REM)
    gather(C, 1)

    @pl.loop(0, RING - 1)
    def _(i):
      row = i * NBUF * C
      for b in range(NBUF):
        wait(b, si)
        put(row + b * C, b)
      for b in range(NBUF):
        wait(b, so)
        gather(row + (NBUF + b) * C, b)

    last = (RING - 1) * NBUF * C
    for b in range(NBUF):
      wait(b, si)
      put(last + b * C, b)
    for b in range(NBUF):
      wait(b, so)

  return k(table, idx)


@jax.jit
def kernel(x, embedding_weight):
  idx = x.reshape(-1).astype(jnp.int32)
  out = _gather(embedding_weight, idx)
  return out.reshape(x.shape + (D,))

# --- scband reference (transcript-rebuilt; emitter-appended) ---
"""Pipeline reference for scband-absolute-sino-positional-encoding-15882789061207 (READ-ONLY COPY).

The authoritative reference and input builder live on the scoring server;
editing this copy changes nothing except your own understanding.
"""

import jax, jax.numpy as jnp
import numpy as np


def setup_inputs(seed: int = 0) -> dict:
    key = jax.random.key(seed)
    k1, k2 = jax.random.split(key)
    # forward input: position indices per token
    x = jax.random.randint(k1, (4, 8192), 0, 8192, dtype=jnp.int64 if jax.config.jax_enable_x64 else jnp.int32)
    # learned parameter: nn.Embedding(max_seq=8192, dim=1024) weight
    embedding_weight = jax.random.normal(k2, (8192, 1024), dtype=jnp.float32)
    return {"x": x, "embedding_weight": embedding_weight}


def reference(x, embedding_weight):
    # mode != 'sino' -> forward is self.embedding(x), i.e. a row gather from the table
    return jnp.take(embedding_weight, x, axis=0)

if __name__ == "__main__":
    import jax
    _d = setup_inputs()
    print(jax.jit(kernel)(*tuple(_d.values())))

</pallas_src>

<mosaic_0001>
#map = affine_map<(d0, d1) -> (0, 0)>
#map1 = affine_map<(d0, d1) -> (0)>
module attributes {stable_mosaic.version = 14 : i64} {
  func.func @k(%arg0: i32, %arg1: i32, %arg2: memref<8192x1024xf32, #tpu.memory_space<hbm>>, %arg3: memref<32768xi32, #tpu.memory_space<hbm>>, %arg4: memref<32768x1024xf32, #tpu.memory_space<hbm>>, %arg5: memref<1024xi32, #tpu.memory_space<vmem>>, %arg6: memref<56x1024xf32, #tpu.memory_space<vmem>>, %arg7: memref<56x1024xf32, #tpu.memory_space<vmem>>, %arg8: memref<!tpu.dma_semaphore, #tpu.memory_space<semaphore_mem>>, %arg9: memref<!tpu.dma_semaphore, #tpu.memory_space<semaphore_mem>>, %arg10: memref<!tpu.dma_semaphore, #tpu.memory_space<semaphore_mem>>, %arg11: memref<!tpu.dma_semaphore, #tpu.memory_space<semaphore_mem>>) attributes {dimension_semantics = [#tpu.dimension_semantics<core_parallel>, #tpu.dimension_semantics<subcore_parallel>], iteration_bounds = array<i64: 2, 16>, scalar_prefetch = 0 : i64, scratch_operands = 7 : i64, tpu.core_type = #tpu.core_type<sc_vector_subcore>, window_params = [{transform_indices = #map}, {transform_indices = #map1}, {transform_indices = #map}]} {
    %mul3A = arith.constant 2 : i32
    %mul3A_0 = arith.muli %arg1, %mul3A : i32
    %add3A = arith.addi %mul3A_0, %arg0 : i32
    %mul3A_1 = arith.constant 1024 : i32
    %mul3A_2 = arith.muli %add3A, %mul3A_1 : i32
    "tpu.region"() ({
      %run_scoped3A = tpu.sem_alloc : memref<!tpu.dma_semaphore, #tpu.memory_space<semaphore_mem>>
      %dma_start3A_137 = tpu.memref_slice %arg3[%mul3A_2] : memref<32768xi32, #tpu.memory_space<hbm>> -> memref<1024xi32, #tpu.memory_space<hbm>>
      %dma_start3A_138 = tpu.memref_slice %arg3[%mul3A_2] : memref<32768xi32, #tpu.memory_space<hbm>> -> memref<1024xi32, #tpu.memory_space<hbm>>
      tpu.enqueue_dma source(%dma_start3A_138 : memref<1024xi32, #tpu.memory_space<hbm>>) target(%arg5 : memref<1024xi32, #tpu.memory_space<vmem>>) target_semaphore(%run_scoped3A : memref<!tpu.dma_semaphore, #tpu.memory_space<semaphore_mem>>)
      %dma_wait3A_139 = tpu.memref_slice %arg3[%mul3A_2] : memref<32768xi32, #tpu.memory_space<hbm>> -> memref<1024xi32, #tpu.memory_space<hbm>>
      %dma_wait3A_140 = tpu.memref_slice %arg3[%mul3A_2] : memref<32768xi32, #tpu.memory_space<hbm>> -> memref<1024xi32, #tpu.memory_space<hbm>>
      tpu.wait_dma2 semaphore(%run_scoped3A : memref<!tpu.dma_semaphore, #tpu.memory_space<semaphore_mem>>) src(%dma_wait3A_140 : memref<1024xi32, #tpu.memory_space<hbm>>) dst(%arg5 : memref<1024xi32, #tpu.memory_space<vmem>>)
      tpu.yield
    }) : () -> ()
    %dma_start3A = arith.constant 0 : i32
    %dma_start3A_3 = arith.constant 0 : i32
    %dma_start3A_4 = tpu.memref_slice %arg7[%dma_start3A, %dma_start3A_3] : memref<56x1024xf32, #tpu.memory_space<vmem>> -> memref<16x1024xf32, #tpu.memory_space<vmem>>
    %dma_start3A_5 = arith.constant 1008 : i32
    %dma_start3A_6 = tpu.memref_slice %arg5[%dma_start3A_5] : memref<1024xi32, #tpu.memory_space<vmem>> -> memref<16xi32, #tpu.memory_space<vmem>>
    %dma_start3A_7 = arith.constant 0 : i32
    %dma_start3A_8 = arith.constant 0 : i32
    %dma_start3A_9 = tpu.memref_slice %arg2[%dma_start3A_7, %dma_start3A_8] : memref<8192x1024xf32, #tpu.memory_space<hbm>> -> memref<8192x1024xf32, #tpu.memory_space<hbm>>
    tpu.enqueue_indirect_dma source(%dma_start3A_9 : memref<8192x1024xf32, #tpu.memory_space<hbm>>) target(%dma_start3A_4 : memref<16x1024xf32, #tpu.memory_space<vmem>>) offsets(%dma_start3A_6 : memref<16xi32, #tpu.memory_space<vmem>>) semaphore(%arg9 : memref<!tpu.dma_semaphore, #tpu.memory_space<semaphore_mem>>)
    %dma_start3A_10 = arith.constant 0 : i32
    %dma_start3A_11 = arith.constant 0 : i32
    %dma_start3A_12 = tpu.memref_slice %arg6[%dma_start3A_10, %dma_start3A_11] : memref<56x1024xf32, #tpu.memory_space<vmem>> -> memref<56x1024xf32, #tpu.memory_space<vmem>>
    %dma_start3A_13 = arith.constant 0 : i32
    %dma_start3A_14 = tpu.memref_slice %arg5[%dma_start3A_13] : memref<1024xi32, #tpu.memory_space<vmem>> -> memref<56xi32, #tpu.memory_space<vmem>>
    %dma_start3A_15 = arith.constant 0 : i32
    %dma_start3A_16 = arith.constant 0 : i32
    %dma_start3A_17 = tpu.memref_slice %arg2[%dma_start3A_15, %dma_start3A_16] : memref<8192x1024xf32, #tpu.memory_space<hbm>> -> memref<8192x1024xf32, #tpu.memory_space<hbm>>
    tpu.enqueue_indirect_dma source(%dma_start3A_17 : memref<8192x1024xf32, #tpu.memory_space<hbm>>) target(%dma_start3A_12 : memref<56x1024xf32, #tpu.memory_space<vmem>>) offsets(%dma_start3A_14 : memref<56xi32, #tpu.memory_space<vmem>>) semaphore(%arg8 : memref<!tpu.dma_semaphore, #tpu.memory_space<semaphore_mem>>)
    %dma_wait3A = arith.constant 0 : i32
    %dma_wait3A_18 = arith.constant 0 : i32
    %dma_wait3A_19 = tpu.memref_slice %arg7[%dma_wait3A, %dma_wait3A_18] : memref<56x1024xf32, #tpu.memory_space<vmem>> -> memref<16x1024xf32, #tpu.memory_space<vmem>>
    %dma_wait3A_20 = arith.constant 0 : i32
    %dma_wait3A_21 = arith.constant 0 : i32
    %dma_wait3A_22 = tpu.memref_slice %arg2[%dma_wait3A_20, %dma_wait3A_21] : memref<8192x1024xf32, #tpu.memory_space<hbm>> -> memref<16x1024xf32, #tpu.memory_space<hbm>>
    %dma_wait3A_23 = arith.constant 0 : i32
    %dma_wait3A_24 = arith.constant 0 : i32
    %dma_wait3A_25 = tpu.memref_slice %arg7[%dma_wait3A_23, %dma_wait3A_24] : memref<56x1024xf32, #tpu.memory_space<vmem>> -> memref<16x1024xf32, #tpu.memory_space<vmem>>
    %dma_wait3A_26 = arith.constant 0 : i32
    %dma_wait3A_27 = arith.constant 0 : i32
    %dma_wait3A_28 = tpu.memref_slice %arg2[%dma_wait3A_26, %dma_wait3A_27] : memref<8192x1024xf32, #tpu.memory_space<hbm>> -> memref<16x1024xf32, #tpu.memory_space<hbm>>
    tpu.wait_dma2 semaphore(%arg9 : memref<!tpu.dma_semaphore, #tpu.memory_space<semaphore_mem>>) src(%dma_wait3A_28 : memref<16x1024xf32, #tpu.memory_space<hbm>>) dst(%dma_wait3A_25 : memref<16x1024xf32, #tpu.memory_space<vmem>>)
    %add3A_29 = arith.constant 1008 : i32
    %add3A_30 = arith.addi %mul3A_2, %add3A_29 : i32
    %dma_start3A_31 = arith.constant 0 : i32
    %dma_start3A_32 = arith.constant 0 : i32
    %dma_start3A_33 = tpu.memref_slice %arg7[%dma_start3A_31, %dma_start3A_32] : memref<56x1024xf32, #tpu.memory_space<vmem>> -> memref<16x1024xf32, #tpu.memory_space<vmem>>
    %dma_start3A_34 = arith.constant 0 : i32
    %dma_start3A_35 = tpu.memref_slice %arg4[%add3A_30, %dma_start3A_34] : memref<32768x1024xf32, #tpu.memory_space<hbm>> -> memref<16x1024xf32, #tpu.memory_space<hbm>>
    %dma_start3A_36 = arith.constant 0 : i32
    %dma_start3A_37 = tpu.memref_slice %arg4[%add3A_30, %dma_start3A_36] : memref<32768x1024xf32, #tpu.memory_space<hbm>> -> memref<16x1024xf32, #tpu.memory_space<hbm>>
    %dma_start3A_38 = arith.constant 0 : i32
    %dma_start3A_39 = arith.constant 0 : i32
    %dma_start3A_40 = tpu.memref_slice %arg7[%dma_start3A_38, %dma_start3A_39] : memref<56x1024xf32, #tpu.memory_space<vmem>> -> memref<16x1024xf32, #tpu.memory_space<vmem>>
    tpu.enqueue_dma source(%dma_start3A_40 : memref<16x1024xf32, #tpu.memory_space<vmem>>) target(%dma_start3A_37 : memref<16x1024xf32, #tpu.memory_space<hbm>>) target_semaphore(%arg11 : memref<!tpu.dma_semaphore, #tpu.memory_space<semaphore_mem>>)
    %dma_wait3A_41 = arith.constant 0 : i32
    %dma_wait3A_42 = arith.constant 0 : i32
    %dma_wait3A_43 = tpu.memref_slice %arg7[%dma_wait3A_41, %dma_wait3A_42] : memref<56x1024xf32, #tpu.memory_space<vmem>> -> memref<16x1024xf32, #tpu.memory_space<vmem>>
    %dma_wait3A_44 = arith.constant 0 : i32
    %dma_wait3A_45 = arith.constant 0 : i32
    %dma_wait3A_46 = tpu.memref_slice %arg2[%dma_wait3A_44, %dma_wait3A_45] : memref<8192x1024xf32, #tpu.memory_space<hbm>> -> memref<16x1024xf32, #tpu.memory_space<hbm>>
    %dma_wait3A_47 = arith.constant 0 : i32
    %dma_wait3A_48 = arith.constant 0 : i32
    %dma_wait3A_49 = tpu.memref_slice %arg7[%dma_wait3A_47, %dma_wait3A_48] : memref<56x1024xf32, #tpu.memory_space<vmem>> -> memref<16x1024xf32, #tpu.memory_space<vmem>>
    %dma_wait3A_50 = arith.constant 0 : i32
    %dma_wait3A_51 = arith.constant 0 : i32
    %dma_wait3A_52 = tpu.memref_slice %arg2[%dma_wait3A_50, %dma_wait3A_51] : memref<8192x1024xf32, #tpu.memory_space<hbm>> -> memref<16x1024xf32, #tpu.memory_space<hbm>>
    tpu.wait_dma2 semaphore(%arg11 : memref<!tpu.dma_semaphore, #tpu.memory_space<semaphore_mem>>) src(%dma_wait3A_52 : memref<16x1024xf32, #tpu.memory_space<hbm>>) dst(%dma_wait3A_49 : memref<16x1024xf32, #tpu.memory_space<vmem>>)
    %dma_start3A_53 = arith.constant 0 : i32
    %dma_start3A_54 = arith.constant 0 : i32
    %dma_start3A_55 = tpu.memref_slice %arg7[%dma_start3A_53, %dma_start3A_54] : memref<56x1024xf32, #tpu.memory_space<vmem>> -> memref<56x1024xf32, #tpu.memory_space<vmem>>
    %dma_start3A_56 = arith.constant 56 : i32
    %dma_start3A_57 = tpu.memref_slice %arg5[%dma_start3A_56] : memref<1024xi32, #tpu.memory_space<vmem>> -> memref<56xi32, #tpu.memory_space<vmem>>
    %dma_start3A_58 = arith.constant 0 : i32
    %dma_start3A_59 = arith.constant 0 : i32
    %dma_start3A_60 = tpu.memref_slice %arg2[%dma_start3A_58, %dma_start3A_59] : memref<8192x1024xf32, #tpu.memory_space<hbm>> -> memref<8192x1024xf32, #tpu.memory_space<hbm>>
    tpu.enqueue_indirect_dma source(%dma_start3A_60 : memref<8192x1024xf32, #tpu.memory_space<hbm>>) target(%dma_start3A_55 : memref<56x1024xf32, #tpu.memory_space<vmem>>) offsets(%dma_start3A_57 : memref<56xi32, #tpu.memory_space<vmem>>) semaphore(%arg9 : memref<!tpu.dma_semaphore, #tpu.memory_space<semaphore_mem>>)
    %scan3A = arith.constant 0 : i32
    %scan3A_61 = arith.constant 8 : i32
    %scan3A_62 = arith.addi %scan3A, %scan3A_61 : i32
    %scan3A_63 = arith.constant 1 : i32
    scf.for %scan3A_137 = %scan3A to %scan3A_62 step %scan3A_63  : i32 {
      %mul3A_138 = arith.constant 1 : i32
      %mul3A_139 = arith.muli %scan3A_137, %mul3A_138 : i32
      %add3A_140 = arith.constant 0 : i32
      %add3A_141 = arith.addi %add3A_140, %mul3A_139 : i32
      %mul3A_142 = arith.constant 2 : i32
      %mul3A_143 = arith.muli %add3A_141, %mul3A_142 : i32
      %mul3A_144 = arith.constant 56 : i32
      %mul3A_145 = arith.muli %mul3A_143, %mul3A_144 : i32
      %dma_wait3A_146 = arith.constant 0 : i32
      %dma_wait3A_147 = arith.constant 0 : i32
      %dma_wait3A_148 = tpu.memref_slice %arg6[%dma_wait3A_146, %dma_wait3A_147] : memref<56x1024xf32, #tpu.memory_space<vmem>> -> memref<56x1024xf32, #tpu.memory_space<vmem>>
      %dma_wait3A_149 = arith.constant 0 : i32
      %dma_wait3A_150 = arith.constant 0 : i32
      %dma_wait3A_151 = tpu.memref_slice %arg2[%dma_wait3A_149, %dma_wait3A_150] : memref<8192x1024xf32, #tpu.memory_space<hbm>> -> memref<56x1024xf32, #tpu.memory_space<hbm>>
      %dma_wait3A_152 = arith.constant 0 : i32
      %dma_wait3A_153 = arith.constant 0 : i32
      %dma_wait3A_154 = tpu.memref_slice %arg6[%dma_wait3A_152, %dma_wait3A_153] : memref<56x1024xf32, #tpu.memory_space<vmem>> -> memref<56x1024xf32, #tpu.memory_space<vmem>>
      %dma_wait3A_155 = arith.constant 0 : i32
      %dma_wait3A_156 = arith.constant 0 : i32
      %dma_wait3A_157 = tpu.memref_slice %arg2[%dma_wait3A_155, %dma_wait3A_156] : memref<8192x1024xf32, #tpu.memory_space<hbm>> -> memref<56x1024xf32, #tpu.memory_space<hbm>>
      tpu.wait_dma2 semaphore(%arg8 : memref<!tpu.dma_semaphore, #tpu.memory_space<semaphore_mem>>) src(%dma_wait3A_157 : memref<56x1024xf32, #tpu.memory_space<hbm>>) dst(%dma_wait3A_154 : memref<56x1024xf32, #tpu.memory_space<vmem>>)
      %add3A_158 = arith.constant 0 : i32
      %add3A_159 = arith.addi %mul3A_145, %add3A_158 : i32
      %add3A_160 = arith.addi %mul3A_2, %add3A_159 : i32
      %dma_start3A_161 = arith.constant 0 : i32
      %dma_start3A_162 = arith.constant 0 : i32
      %dma_start3A_163 = tpu.memref_slice %arg6[%dma_start3A_161, %dma_start3A_162] : memref<56x1024xf32, #tpu.memory_space<vmem>> -> memref<56x1024xf32, #tpu.memory_space<vmem>>
      %dma_start3A_164 = arith.constant 0 : i32
      %dma_start3A_165 = tpu.memref_slice %arg4[%add3A_160, %dma_start3A_164] : memref<32768x1024xf32, #tpu.memory_space<hbm>> -> memref<56x1024xf32, #tpu.memory_space<hbm>>
      %dma_start3A_166 = arith.constant 0 : i32
      %dma_start3A_167 = tpu.memref_slice %arg4[%add3A_160, %dma_start3A_166] : memref<32768x1024xf32, #tpu.memory_space<hbm>> -> memref<56x1024xf32, #tpu.memory_space<hbm>>
      %dma_start3A_168 = arith.constant 0 : i32
      %dma_start3A_169 = arith.constant 0 : i32
      %dma_start3A_170 = tpu.memref_slice %arg6[%dma_start3A_168, %dma_start3A_169] : memref<56x1024xf32, #tpu.memory_space<vmem>> -> memref<56x1024xf32, #tpu.memory_space<vmem>>
      tpu.enqueue_dma source(%dma_start3A_170 : memref<56x1024xf32, #tpu.memory_space<vmem>>) target(%dma_start3A_167 : memref<56x1024xf32, #tpu.memory_space<hbm>>) target_semaphore(%arg10 : memref<!tpu.dma_semaphore, #tpu.memory_space<semaphore_mem>>)
      %dma_wait3A_171 = arith.constant 0 : i32
      %dma_wait3A_172 = arith.constant 0 : i32
      %dma_wait3A_173 = tpu.memref_slice %arg7[%dma_wait3A_171, %dma_wait3A_172] : memref<56x1024xf32, #tpu.memory_space<vmem>> -> memref<56x1024xf32, #tpu.memory_space<vmem>>
      %dma_wait3A_174 = arith.constant 0 : i32
      %dma_wait3A_175 = arith.constant 0 : i32
      %dma_wait3A_176 = tpu.memref_slice %arg2[%dma_wait3A_174, %dma_wait3A_175] : memref<8192x1024xf32, #tpu.memory_space<hbm>> -> memref<56x1024xf32, #tpu.memory_space<hbm>>
      %dma_wait3A_177 = arith.constant 0 : i32
      %dma_wait3A_178 = arith.constant 0 : i32
      %dma_wait3A_179 = tpu.memref_slice %arg7[%dma_wait3A_177, %dma_wait3A_178] : memref<56x1024xf32, #tpu.memory_space<vmem>> -> memref<56x1024xf32, #tpu.memory_space<vmem>>
      %dma_wait3A_180 = arith.constant 0 : i32
      %dma_wait3A_181 = arith.constant 0 : i32
      %dma_wait3A_182 = tpu.memref_slice %arg2[%dma_wait3A_180, %dma_wait3A_181] : memref<8192x1024xf32, #tpu.memory_space<hbm>> -> memref<56x1024xf32, #tpu.memory_space<hbm>>
      tpu.wait_dma2 semaphore(%arg9 : memref<!tpu.dma_semaphore, #tpu.memory_space<semaphore_mem>>) src(%dma_wait3A_182 : memref<56x1024xf32, #tpu.memory_space<hbm>>) dst(%dma_wait3A_179 : memref<56x1024xf32, #tpu.memory_space<vmem>>)
      %add3A_183 = arith.constant 56 : i32
      %add3A_184 = arith.addi %mul3A_145, %add3A_183 : i32
      %add3A_185 = arith.addi %mul3A_2, %add3A_184 : i32
      %dma_start3A_186 = arith.constant 0 : i32
      %dma_start3A_187 = arith.constant 0 : i32
      %dma_start3A_188 = tpu.memref_slice %arg7[%dma_start3A_186, %dma_start3A_187] : memref<56x1024xf32, #tpu.memory_space<vmem>> -> memref<56x1024xf32, #tpu.memory_space<vmem>>
      %dma_start3A_189 = arith.constant 0 : i32
      %dma_start3A_190 = tpu.memref_slice %arg4[%add3A_185, %dma_start3A_189] : memref<32768x1024xf32, #tpu.memory_space<hbm>> -> memref<56x1024xf32, #tpu.memory_space<hbm>>
      %dma_start3A_191 = arith.constant 0 : i32
      %dma_start3A_192 = tpu.memref_slice %arg4[%add3A_185, %dma_start3A_191] : memref<32768x1024xf32, #tpu.memory_space<hbm>> -> memref<56x1024xf32, #tpu.memory_space<hbm>>
      %dma_start3A_193 = arith.constant 0 : i32
      %dma_start3A_194 = arith.constant 0 : i32
      %dma_start3A_195 = tpu.memref_slice %arg7[%dma_start3A_193, %dma_start3A_194] : memref<56x1024xf32, #tpu.memory_space<vmem>> -> memref<56x1024xf32, #tpu.memory_space<vmem>>
      tpu.enqueue_dma source(%dma_start3A_195 : memref<56x1024xf32, #tpu.memory_space<vmem>>) target(%dma_start3A_192 : memref<56x1024xf32, #tpu.memory_space<hbm>>) target_semaphore(%arg11 : memref<!tpu.dma_semaphore, #tpu.memory_space<semaphore_mem>>)
      %dma_wait3A_196 = arith.constant 0 : i32
      %dma_wait3A_197 = arith.constant 0 : i32
      %dma_wait3A_198 = tpu.memref_slice %arg6[%dma_wait3A_196, %dma_wait3A_197] : memref<56x1024xf32, #tpu.memory_space<vmem>> -> memref<56x1024xf32, #tpu.memory_space<vmem>>
      %dma_wait3A_199 = arith.constant 0 : i32
      %dma_wait3A_200 = arith.constant 0 : i32
      %dma_wait3A_201 = tpu.memref_slice %arg2[%dma_wait3A_199, %dma_wait3A_200] : memref<8192x1024xf32, #tpu.memory_space<hbm>> -> memref<56x1024xf32, #tpu.memory_space<hbm>>
      %dma_wait3A_202 = arith.constant 0 : i32
      %dma_wait3A_203 = arith.constant 0 : i32
      %dma_wait3A_204 = tpu.memref_slice %arg6[%dma_wait3A_202, %dma_wait3A_203] : memref<56x1024xf32, #tpu.memory_space<vmem>> -> memref<56x1024xf32, #tpu.memory_space<vmem>>
      %dma_wait3A_205 = arith.constant 0 : i32
      %dma_wait3A_206 = arith.constant 0 : i32
      %dma_wait3A_207 = tpu.memref_slice %arg2[%dma_wait3A_205, %dma_wait3A_206] : memref<8192x1024xf32, #tpu.memory_space<hbm>> -> memref<56x1024xf32, #tpu.memory_space<hbm>>
      tpu.wait_dma2 semaphore(%arg10 : memref<!tpu.dma_semaphore, #tpu.memory_space<semaphore_mem>>) src(%dma_wait3A_207 : memref<56x1024xf32, #tpu.memory_space<hbm>>) dst(%dma_wait3A_204 : memref<56x1024xf32, #tpu.memory_space<vmem>>)
      %add3A_208 = arith.constant 112 : i32
      %add3A_209 = arith.addi %mul3A_145, %add3A_208 : i32
      %dma_start3A_210 = arith.constant 0 : i32
      %dma_start3A_211 = arith.constant 0 : i32
      %dma_start3A_212 = tpu.memref_slice %arg6[%dma_start3A_210, %dma_start3A_211] : memref<56x1024xf32, #tpu.memory_space<vmem>> -> memref<56x1024xf32, #tpu.memory_space<vmem>>
      %dma_start3A_213 = tpu.memref_slice %arg5[%add3A_209] : memref<1024xi32, #tpu.memory_space<vmem>> -> memref<56xi32, #tpu.memory_space<vmem>>
      %dma_start3A_214 = arith.constant 0 : i32
      %dma_start3A_215 = arith.constant 0 : i32
      %dma_start3A_216 = tpu.memref_slice %arg2[%dma_start3A_214, %dma_start3A_215] : memref<8192x1024xf32, #tpu.memory_space<hbm>> -> memref<8192x1024xf32, #tpu.memory_space<hbm>>
      tpu.enqueue_indirect_dma source(%dma_start3A_216 : memref<8192x1024xf32, #tpu.memory_space<hbm>>) target(%dma_start3A_212 : memref<56x1024xf32, #tpu.memory_space<vmem>>) offsets(%dma_start3A_213 : memref<56xi32, #tpu.memory_space<vmem>>) semaphore(%arg8 : memref<!tpu.dma_semaphore, #tpu.memory_space<semaphore_mem>>)
      %dma_wait3A_217 = arith.constant 0 : i32
      %dma_wait3A_218 = arith.constant 0 : i32
      %dma_wait3A_219 = tpu.memref_slice %arg7[%dma_wait3A_217, %dma_wait3A_218] : memref<56x1024xf32, #tpu.memory_space<vmem>> -> memref<56x1024xf32, #tpu.memory_space<vmem>>
      %dma_wait3A_220 = arith.constant 0 : i32
      %dma_wait3A_221 = arith.constant 0 : i32
      %dma_wait3A_222 = tpu.memref_slice %arg2[%dma_wait3A_220, %dma_wait3A_221] : memref<8192x1024xf32, #tpu.memory_space<hbm>> -> memref<56x1024xf32, #tpu.memory_space<hbm>>
      %dma_wait3A_223 = arith.constant 0 : i32
      %dma_wait3A_224 = arith.constant 0 : i32
      %dma_wait3A_225 = tpu.memref_slice %arg7[%dma_wait3A_223, %dma_wait3A_224] : memref<56x1024xf32, #tpu.memory_space<vmem>> -> memref<56x1024xf32, #tpu.memory_space<vmem>>
      %dma_wait3A_226 = arith.constant 0 : i32
      %dma_wait3A_227 = arith.constant 0 : i32
      %dma_wait3A_228 = tpu.memref_slice %arg2[%dma_wait3A_226, %dma_wait3A_227] : memref<8192x1024xf32, #tpu.memory_space<hbm>> -> memref<56x1024xf32, #tpu.memory_space<hbm>>
      tpu.wait_dma2 semaphore(%arg11 : memref<!tpu.dma_semaphore, #tpu.memory_space<semaphore_mem>>) src(%dma_wait3A_228 : memref<56x1024xf32, #tpu.memory_space<hbm>>) dst(%dma_wait3A_225 : memref<56x1024xf32, #tpu.memory_space<vmem>>)
      %add3A_229 = arith.constant 168 : i32
      %add3A_230 = arith.addi %mul3A_145, %add3A_229 : i32
      %dma_start3A_231 = arith.constant 0 : i32
      %dma_start3A_232 = arith.constant 0 : i32
      %dma_start3A_233 = tpu.memref_slice %arg7[%dma_start3A_231, %dma_start3A_232] : memref<56x1024xf32, #tpu.memory_space<vmem>> -> memref<56x1024xf32, #tpu.memory_space<vmem>>
      %dma_start3A_234 = tpu.memref_slice %arg5[%add3A_230] : memref<1024xi32, #tpu.memory_space<vmem>> -> memref<56xi32, #tpu.memory_space<vmem>>
      %dma_start3A_235 = arith.constant 0 : i32
      %dma_start3A_236 = arith.constant 0 : i32
      %dma_start3A_237 = tpu.memref_slice %arg2[%dma_start3A_235, %dma_start3A_236] : memref<8192x1024xf32, #tpu.memory_space<hbm>> -> memref<8192x1024xf32, #tpu.memory_space<hbm>>
      tpu.enqueue_indirect_dma source(%dma_start3A_237 : memref<8192x1024xf32, #tpu.memory_space<hbm>>) target(%dma_start3A_233 : memref<56x1024xf32, #tpu.memory_space<vmem>>) offsets(%dma_start3A_234 : memref<56xi32, #tpu.memory_space<vmem>>) semaphore(%arg9 : memref<!tpu.dma_semaphore, #tpu.memory_space<semaphore_mem>>)
    }
    %scan3A_64 = arith.constant 8 : i32
    %dma_wait3A_65 = arith.constant 0 : i32
    %dma_wait3A_66 = arith.constant 0 : i32
    %dma_wait3A_67 = tpu.memref_slice %arg6[%dma_wait3A_65, %dma_wait3A_66] : memref<56x1024xf32, #tpu.memory_space<vmem>> -> memref<56x1024xf32, #tpu.memory_space<vmem>>
    %dma_wait3A_68 = arith.constant 0 : i32
    %dma_wait3A_69 = arith.constant 0 : i32
    %dma_wait3A_70 = tpu.memref_slice %arg2[%dma_wait3A_68, %dma_wait3A_69] : memref<8192x1024xf32, #tpu.memory_space<hbm>> -> memref<56x1024xf32, #tpu.memory_space<hbm>>
    %dma_wait3A_71 = arith.constant 0 : i32
    %dma_wait3A_72 = arith.constant 0 : i32
    %dma_wait3A_73 = tpu.memref_slice %arg6[%dma_wait3A_71, %dma_wait3A_72] : memref<56x1024xf32, #tpu.memory_space<vmem>> -> memref<56x1024xf32, #tpu.memory_space<vmem>>
    %dma_wait3A_74 = arith.constant 0 : i32
    %dma_wait3A_75 = arith.constant 0 : i32
    %dma_wait3A_76 = tpu.memref_slice %arg2[%dma_wait3A_74, %dma_wait3A_75] : memref<8192x1024xf32, #tpu.memory_space<hbm>> -> memref<56x1024xf32, #tpu.memory_space<hbm>>
    tpu.wait_dma2 semaphore(%arg8 : memref<!tpu.dma_semaphore, #tpu.memory_space<semaphore_mem>>) src(%dma_wait3A_76 : memref<56x1024xf32, #tpu.memory_space<hbm>>) dst(%dma_wait3A_73 : memref<56x1024xf32, #tpu.memory_space<vmem>>)
    %add3A_77 = arith.constant 896 : i32
    %add3A_78 = arith.addi %mul3A_2, %add3A_77 : i32
    %dma_start3A_79 = arith.constant 0 : i32
    %dma_start3A_80 = arith.constant 0 : i32
    %dma_start3A_81 = tpu.memref_slice %arg6[%dma_start3A_79, %dma_start3A_80] : memref<56x1024xf32, #tpu.memory_space<vmem>> -> memref<56x1024xf32, #tpu.memory_space<vmem>>
    %dma_start3A_82 = arith.constant 0 : i32
    %dma_start3A_83 = tpu.memref_slice %arg4[%add3A_78, %dma_start3A_82] : memref<32768x1024xf32, #tpu.memory_space<hbm>> -> memref<56x1024xf32, #tpu.memory_space<hbm>>
    %dma_start3A_84 = arith.constant 0 : i32
    %dma_start3A_85 = tpu.memref_slice %arg4[%add3A_78, %dma_start3A_84] : memref<32768x1024xf32, #tpu.memory_space<hbm>> -> memref<56x1024xf32, #tpu.memory_space<hbm>>
    %dma_start3A_86 = arith.constant 0 : i32
    %dma_start3A_87 = arith.constant 0 : i32
    %dma_start3A_88 = tpu.memref_slice %arg6[%dma_start3A_86, %dma_start3A_87] : memref<56x1024xf32, #tpu.memory_space<vmem>> -> memref<56x1024xf32, #tpu.memory_space<vmem>>
    tpu.enqueue_dma source(%dma_start3A_88 : memref<56x1024xf32, #tpu.memory_space<vmem>>) target(%dma_start3A_85 : memref<56x1024xf32, #tpu.memory_space<hbm>>) target_semaphore(%arg10 : memref<!tpu.dma_semaphore, #tpu.memory_space<semaphore_mem>>)
    %dma_wait3A_89 = arith.constant 0 : i32
    %dma_wait3A_90 = arith.constant 0 : i32
    %dma_wait3A_91 = tpu.memref_slice %arg7[%dma_wait3A_89, %dma_wait3A_90] : memref<56x1024xf32, #tpu.memory_space<vmem>> -> memref<56x1024xf32, #tpu.memory_space<vmem>>
    %dma_wait3A_92 = arith.constant 0 : i32
    %dma_wait3A_93 = arith.constant 0 : i32
    %dma_wait3A_94 = tpu.memref_slice %arg2[%dma_wait3A_92, %dma_wait3A_93] : memref<8192x1024xf32, #tpu.memory_space<hbm>> -> memref<56x1024xf32, #tpu.memory_space<hbm>>
    %dma_wait3A_95 = arith.constant 0 : i32
    %dma_wait3A_96 = arith.constant 0 : i32
    %dma_wait3A_97 = tpu.memref_slice %arg7[%dma_wait3A_95, %dma_wait3A_96] : memref<56x1024xf32, #tpu.memory_space<vmem>> -> memref<56x1024xf32, #tpu.memory_space<vmem>>
    %dma_wait3A_98 = arith.constant 0 : i32
    %dma_wait3A_99 = arith.constant 0 : i32
    %dma_wait3A_100 = tpu.memref_slice %arg2[%dma_wait3A_98, %dma_wait3A_99] : memref<8192x1024xf32, #tpu.memory_space<hbm>> -> memref<56x1024xf32, #tpu.memory_space<hbm>>
    tpu.wait_dma2 semaphore(%arg9 : memref<!tpu.dma_semaphore, #tpu.memory_space<semaphore_mem>>) src(%dma_wait3A_100 : memref<56x1024xf32, #tpu.memory_space<hbm>>) dst(%dma_wait3A_97 : memref<56x1024xf32, #tpu.memory_space<vmem>>)
    %add3A_101 = arith.constant 952 : i32
    %add3A_102 = arith.addi %mul3A_2, %add3A_101 : i32
    %dma_start3A_103 = arith.constant 0 : i32
    %dma_start3A_104 = arith.constant 0 : i32
    %dma_start3A_105 = tpu.memref_slice %arg7[%dma_start3A_103, %dma_start3A_104] : memref<56x1024xf32, #tpu.memory_space<vmem>> -> memref<56x1024xf32, #tpu.memory_space<vmem>>
    %dma_start3A_106 = arith.constant 0 : i32
    %dma_start3A_107 = tpu.memref_slice %arg4[%add3A_102, %dma_start3A_106] : memref<32768x1024xf32, #tpu.memory_space<hbm>> -> memref<56x1024xf32, #tpu.memory_space<hbm>>
    %dma_start3A_108 = arith.constant 0 : i32
    %dma_start3A_109 = tpu.memref_slice %arg4[%add3A_102, %dma_start3A_108] : memref<32768x1024xf32, #tpu.memory_space<hbm>> -> memref<56x1024xf32, #tpu.memory_space<hbm>>
    %dma_start3A_110 = arith.constant 0 : i32
    %dma_start3A_111 = arith.constant 0 : i32
    %dma_start3A_112 = tpu.memref_slice %arg7[%dma_start3A_110, %dma_start3A_111] : memref<56x1024xf32, #tpu.memory_space<vmem>> -> memref<56x1024xf32, #tpu.memory_space<vmem>>
    tpu.enqueue_dma source(%dma_start3A_112 : memref<56x1024xf32, #tpu.memory_space<vmem>>) target(%dma_start3A_109 : memref<56x1024xf32, #tpu.memory_space<hbm>>) target_semaphore(%arg11 : memref<!tpu.dma_semaphore, #tpu.memory_space<semaphore_mem>>)
    %dma_wait3A_113 = arith.constant 0 : i32
    %dma_wait3A_114 = arith.constant 0 : i32
    %dma_wait3A_115 = tpu.memref_slice %arg6[%dma_wait3A_113, %dma_wait3A_114] : memref<56x1024xf32, #tpu.memory_space<vmem>> -> memref<56x1024xf32, #tpu.memory_space<vmem>>
    %dma_wait3A_116 = arith.constant 0 : i32
    %dma_wait3A_117 = arith.constant 0 : i32
    %dma_wait3A_118 = tpu.memref_slice %arg2[%dma_wait3A_116, %dma_wait3A_117] : memref<8192x1024xf32, #tpu.memory_space<hbm>> -> memref<56x1024xf32, #tpu.memory_space<hbm>>
    %dma_wait3A_119 = arith.constant 0 : i32
    %dma_wait3A_120 = arith.constant 0 : i32
    %dma_wait3A_121 = tpu.memref_slice %arg6[%dma_wait3A_119, %dma_wait3A_120] : memref<56x1024xf32, #tpu.memory_space<vmem>> -> memref<56x1024xf32, #tpu.memory_space<vmem>>
    %dma_wait3A_122 = arith.constant 0 : i32
    %dma_wait3A_123 = arith.constant 0 : i32
    %dma_wait3A_124 = tpu.memref_slice %arg2[%dma_wait3A_122, %dma_wait3A_123] : memref<8192x1024xf32, #tpu.memory_space<hbm>> -> memref<56x1024xf32, #tpu.memory_space<hbm>>
    tpu.wait_dma2 semaphore(%arg10 : memref<!tpu.dma_semaphore, #tpu.memory_space<semaphore_mem>>) src(%dma_wait3A_124 : memref<56x1024xf32, #tpu.memory_space<hbm>>) dst(%dma_wait3A_121 : memref<56x1024xf32, #tpu.memory_space<vmem>>)
    %dma_wait3A_125 = arith.constant 0 : i32
    %dma_wait3A_126 = arith.constant 0 : i32
    %dma_wait3A_127 = tpu.memref_slice %arg7[%dma_wait3A_125, %dma_wait3A_126] : memref<56x1024xf32, #tpu.memory_space<vmem>> -> memref<56x1024xf32, #tpu.memory_space<vmem>>
    %dma_wait3A_128 = arith.constant 0 : i32
    %dma_wait3A_129 = arith.constant 0 : i32
    %dma_wait3A_130 = tpu.memref_slice %arg2[%dma_wait3A_128, %dma_wait3A_129] : memref<8192x1024xf32, #tpu.memory_space<hbm>> -> memref<56x1024xf32, #tpu.memory_space<hbm>>
    %dma_wait3A_131 = arith.constant 0 : i32
    %dma_wait3A_132 = arith.constant 0 : i32
    %dma_wait3A_133 = tpu.memref_slice %arg7[%dma_wait3A_131, %dma_wait3A_132] : memref<56x1024xf32, #tpu.memory_space<vmem>> -> memref<56x1024xf32, #tpu.memory_space<vmem>>
    %dma_wait3A_134 = arith.constant 0 : i32
    %dma_wait3A_135 = arith.constant 0 : i32
    %dma_wait3A_136 = tpu.memref_slice %arg2[%dma_wait3A_134, %dma_wait3A_135] : memref<8192x1024xf32, #tpu.memory_space<hbm>> -> memref<56x1024xf32, #tpu.memory_space<hbm>>
    tpu.wait_dma2 semaphore(%arg11 : memref<!tpu.dma_semaphore, #tpu.memory_space<semaphore_mem>>) src(%dma_wait3A_136 : memref<56x1024xf32, #tpu.memory_space<hbm>>) dst(%dma_wait3A_133 : memref<56x1024xf32, #tpu.memory_space<vmem>>)
    return
  }
}

</mosaic_0001>

<sc_bundles>
// kernel: kernel.3.cloned.1.call-start
scs
__scs_entry_jumppad:
0x0: {  	(pc) =	sbr.rel $0x88, $3  }
0x1: {  	(tag) =	ssettag $0x0;
	lr =	simm.s32 $0x1  }
0x2: {  	[smem:$0x3F9F] =	sst lr;
	_ =	strace $0xD0000000  }
0x3: {  	_ = 	snop  }
0x4: {  	_ = 	snop  }
0x5: {  	_ = 	snop  }
0x6: {  	_ = 	snop  }
0x7: {  	_ = 	snop  }
__scs_overlays_trampoline_lowered:
0x8: {  	[smem:$0x3FAE] =	sst s0  }
0x9: {  	[smem:$0x3FAF] =	sst s1  }
0xa: {  	[smem:$0x3FB0] =	sst s2  }
0xb: {  	[smem:$0x3FB1] =	sst s3  }
0xc: {  	[smem:$0x3FB2] =	sst s4  }
0xd: {  	[smem:$0x3FB3] =	sst s5  }
0xe: {  	[smem:$0x3FB4] =	sst s6  }
0xf: {  	[smem:$0x3FB5] =	sst s7  }
0x10: {  	[smem:$0x3FB6] =	sst s8  }
0x11: {  	[smem:$0x3FB7] =	sst s9;
	s0 =	simm.s32 @!p0 $0x0  }
0x12: {  	s1 =	sld [smem:$0x3F9D];
	s0 =	simm.s32 @p0 $0x1  }
0x13: {  	[smem:$0x3FB8] =	sst s0;
	s0 =	simm.s32 @!p1 $0x0  }
0x14: {  	s2 =	sld [smem:$0x3F9C];
	s0 =	simm.s32 @p1 $0x1  }
0x15: {  	[smem:$0x3FB9] =	sst s0;
	s0 =	simm.s32 @!p2 $0x0  }
0x16: {  	s3 =	sld [smem:$0x3FDB];
	s0 =	simm.s32 @p2 $0x1  }
0x17: {  	s4 =	simm.s32 $0x1BF5;
	[smem:$0x3FBB] =	sst s0  }
0x18: {  	s0 =	sld [smem:$0x3F9E];
	_ =	swait.ge [sflag:s4], $0x0  }
0x19: {  	s7 =	sld [smem:$0x3F9F]  }
0x1a: {  	s8 =	sadd.s32 $0xFFFFE003, lr  }
0x1b: {  	s9 =	sadd.s32 $0xFFFFFEF7, lr;
	s5 =	simm.s32 $0xFFFFFFFF;
	p2 =	slt.u32 s8, $0xFFFFF086  }
0x1c: {  	p1 =	slt.u32 s9, $0xF7A;
	s5 =	simm.s32 @!p2 $0x0  }
0x1d: {  	s5 =	simm.s32 @p1 $0x1;
	p0 =	seq.s32 s7, s2  }
0x1e: {  	s7 =	smul.u32 @!p0 $0xF7A, s2;
	p2 =	seq.s32 @!p0 s5, $0x0  }
0x1f: {  	s9 =	smul.u32 $0xF7A, s1;
	s8 =	simm.s32 @!p0 $0x1BF5;
	p2 =	por !p2, p0  }
0x20: {  	[sflag:s8] =	ssyncset.s32 @!p0 $0xFFFFF086;
	s6 =	sadd.s32 @!p0 s3, s7;
	s7 =	simm.s32 @!p0 $0x108  }
0x21: {  	s3 =	sadd.s32 s3, s9;
	s6 =	sadd.s32 @!p0 $0x88, s6;
	s7 =	simm.s32 @p2 $0x1082  }
0x22: {  	[simem:s7], [sflag:s8] =	dma.local @!p0 [hbm:s6], $0xF7A  }
0x23: {  	s9 =	sor.u32 $0xD0000000, s2;
	s6 =	simm.s32 $0x108;
	_ =	swait.ge @!p0 [sflag:s8], $0x0  }
0x24: {  	s3 =	sadd.s32 $0x88, s3;
	s6 =	simm.s32 @!p1 $0x1082;
	[sflag:s4] =	ssyncset.s32 $0xFFFFF086  }
0x25: {  	[simem:s6], [sflag:s4] =	dma.local [hbm:s3], $0xF7A  }
0x26: {  	[smem:$0x3F9F] =	sst s1;
	(tag) =	ssettag s2;
	_ =	strace s9  }
0x27: {  	s1 =	sld [smem:$0x3FAF]  }
0x28: {  	s2 =	sld [smem:$0x3FB0]  }
0x29: {  	s4 =	sld [smem:$0x3FB2]  }
0x2a: {  	p0 =	seq.s32 s5, $0x0;
	s5 =	sld [smem:$0x3FB3]  }
0x2b: {  	s6 =	sld [smem:$0x3FB4]  }
0x2c: {  	s7 =	sld [smem:$0x3FB5]  }
0x2d: {  	s3 =	simm.s32 $0x108;
	s8 =	sld [smem:$0x3FB6]  }
0x2e: {  	s3 =	simm.s32 @!p0 $0x1082;
	s9 =	sld [smem:$0x3FB7]  }
0x2f: {  	lr =	sadd.s32 s0, s3;
	s0 =	sld [smem:$0x3FAE]  }
0x30: {  	s3 =	sld [smem:$0x3FB1]  }
0x31: {  	[smem:$0x3FBA] =	sst s10  }
0x32: {  	s10 =	sld [smem:$0x3FB8];
	_ =	sdelay $0x3  }
0x33: {  	p0 =	seq.s32 s10, $0x1;
	s10 =	sld [smem:$0x3FBA];
	_ =	sdelay $0x3  }
0x34: {  	[smem:$0x3FBA] =	sst s10  }
0x35: {  	s10 =	sld [smem:$0x3FB9];
	_ =	sdelay $0x3  }
0x36: {  	p1 =	seq.s32 s10, $0x1;
	s10 =	sld [smem:$0x3FBA];
	_ =	sdelay $0x3  }
0x37: {  	[smem:$0x3FBA] =	sst s10  }
0x38: {  	s10 =	sld [smem:$0x3FBB]  }
0x39: {  	_ = 	snop;
	(pc) =	sbr.ind lr, $3  }
0x3a: {  	_ = 	snop  }
0x3b: {  	_ = 	snop  }
0x3c: {  	p2 =	seq.s32 s10, $0x1;
	s10 =	sld [smem:$0x3FBA]  }
0x3d: {  	_ =	shalt  }
0x3e: {  	_ =	shalt  }
0x3f: {  	_ =	shalt  }
0x40: {  	_ =	shalt  }
0x41: {  	_ =	shalt  }
0x42: {  	_ =	shalt  }
0x43: {  	_ =	shalt  }
0x44: {  	_ =	shalt  }
0x45: {  	_ =	shalt  }
0x46: {  	_ =	shalt  }
0x47: {  	_ =	shalt  }
0x48: {  	_ =	shalt  }
0x49: {  	_ =	shalt  }
0x4a: {  	_ =	shalt  }
0x4b: {  	_ =	shalt  }
0x4c: {  	_ =	shalt  }
0x4d: {  	_ =	shalt  }
0x4e: {  	_ =	shalt  }
0x4f: {  	_ =	shalt  }
0x50: {  	_ =	shalt  }
0x51: {  	_ =	shalt  }
0x52: {  	_ =	shalt  }
0x53: {  	_ =	shalt  }
0x54: {  	_ =	shalt  }
0x55: {  	_ =	shalt  }
0x56: {  	_ =	shalt  }
0x57: {  	_ =	shalt  }
0x58: {  	_ =	shalt  }
0x59: {  	_ =	shalt  }
0x5a: {  	_ =	shalt  }
0x5b: {  	_ =	shalt  }
0x5c: {  	_ =	shalt  }
0x5d: {  	_ =	shalt  }
0x5e: {  	_ =	shalt  }
0x5f: {  	_ =	shalt  }
0x60: {  	_ =	shalt  }
0x61: {  	_ =	shalt  }
0x62: {  	_ =	shalt  }
0x63: {  	_ =	shalt  }
0x64: {  	_ =	shalt  }
0x65: {  	_ =	shalt  }
0x66: {  	_ =	shalt  }
0x67: {  	_ =	shalt  }
0x68: {  	_ =	shalt  }
0x69: {  	_ =	shalt  }
0x6a: {  	_ =	shalt  }
0x6b: {  	_ =	shalt  }
0x6c: {  	_ =	shalt  }
0x6d: {  	_ =	shalt  }
0x6e: {  	_ =	shalt  }
0x6f: {  	_ =	shalt  }
0x70: {  	_ =	shalt  }
0x71: {  	_ =	shalt  }
0x72: {  	_ =	shalt  }
0x73: {  	_ =	shalt  }
0x74: {  	_ =	shalt  }
0x75: {  	_ =	shalt  }
0x76: {  	_ =	shalt  }
0x77: {  	_ =	shalt  }
0x78: {  	_ =	shalt  }
0x79: {  	_ =	shalt  }
0x7a: {  	_ =	shalt  }
0x7b: {  	_ =	shalt  }
0x7c: {  	_ =	shalt  }
0x7d: {  	_ =	shalt  }
0x7e: {  	_ =	shalt  }
0x7f: {  	_ =	shalt  }
0x80: {  	_ =	shalt  }
0x81: {  	_ =	shalt  }
0x82: {  	_ =	shalt  }
0x83: {  	_ =	shalt  }
0x84: {  	_ =	shalt  }
0x85: {  	_ =	shalt  }
0x86: {  	_ =	shalt  }
0x87: {  	_ =	shalt  }
.Lfunc_end0:
.L_simem_size_0:
called_computation_lowered:
.L_overlay_start_0:
0x88: {  	s2 =	sld [smem:$0x3FD9]  }
0x89: {  	s3 =	sld [smem:$0x3FFE];
	_ =	sdelay $0x1  }
0x8a: {  	s1 =	srdreg.scid  }
0x8b: {  	s0 =	sand.u32 $0x1, s1  }
0x8c: {  	s17 =	sshll.u32 s0, $0xA;
	s2 =	sadd.s32 s3, s2  }
0x8d: {  	s2 =	sadd.s32 s2, s17  }
0x8e: {  	[smem:$0x3FC6] =	sst s2  }
0x8f: {  	_ = 	snop  }
0x90: {  	s2 =	sld [smem:$0x3FC8]  }
0x91: {  	s18 =	sld [smem:$0x3FD0];
	(tm) =	ssettm $0x1  }
0x92: {  	s4 =	sld [smem:$0x3FFB];
	_ =	sdelay $0x3  }
0x93: {  	_ =	strace s4  }
0x94: {  	s4 =	sld [smem:$0x3FFC];
	_ =	sdelay $0x3  }
0x95: {  	_ =	strace s4  }
0x96: {  	s4 =	sld [smem:$0x3FFD];
	_ =	sdelay $0x3  }
0x97: {  	_ =	strace s4  }
0x98: {  	_ =	strace $0x8FFFFFFF  }
0x99: {  	s19 =	sld [smem:$0x3FDB];
	_ =	sdelay $0x1  }
0x9a: {  	s5 =	simm.s32 $_scs_section_size  }
0x9b: {  	s6 =	simm.s32 $_size__tile_overlayer_lowered;
	s7 =	simm.s32 $_tile_overlayer_lowered  }
0x9c: {  	s22 =	simm.s32 $0x1BFF;
	s21 =	sshll.u32 s7, $0x1;
	s4 =	sadd.s32 s5, s19  }
0x9d: {  	s8 =	simm.s32 $0x0;
	s20 =	sshll.u32 s6, $0x1;
	s6 =	sadd.s32 s21, s4  }
0x9e: {  	[timem:s8], [sflag:s22] =	dma.local [hbm:s6], s20  }
0x9f: {  	_ =	swait.ge [sflag:s22], s20  }
0xa0: {  	s5 =	ssub.s32 $0x0, s20;
	[sflag:s22] =	ssyncset.done $0x0  }
0xa1: {  	[sflag:s22] =	ssyncadd.s32 s5;
	_ =	sdelay $0x1  }
0xa2: {  	s23 =	simm.s32 $0x1B8B  }
0xa3: {  	_ =	swait.ge [sflag:s23], $0x1  }
0xa4: {  	[sflag:s23] =	ssyncset.done $0x0  }
0xa5: {  	s25 =	simm.s32 $0x1B8E;
	s24 =	sld [smem:$0x3FFE];
	[sflag:s23] =	ssyncadd.s32 $0xFFFFFFFF  }
0xa6: {  	s26 =	simm.s32 $execute0_lowered;
	[smem:$0x3FD2] =	sst s25  }
0xa7: {  	s6 =	sshll.u32 s26, $0x1;
	_ =	strace $0x80000046;
	[dreg:$0x1] =	wrdreg $0xFFFFFFFF  }
0xa8: {  	s28 =	simm.s32 $_size_execute0_lowered;
	s4 =	sadd.s32 s4, s6;
	[dreg:$0x0] =	wrdreg $0x0  }
0xa9: {  	s6 =	sshll.u32 s28, $0x1;
	[dreg:$0x2] =	wrdreg s4  }
0xaa: {  	[dreg:$0x3] =	wrdreg s6  }
0xab: {  	[dreg:$0x4] =	wrdreg $0xC0  }
0xac: {  	_ =	task [dreg:s8], $0x5FFFF  }
0xad: {  	[dreg:$0x1] =	wrdreg $0xFFFFFFFF  }
0xae: {  	[dreg:$0x0] =	wrdreg $0x60  }
0xaf: {  	[dreg:$0x2] =	wrdreg s2  }
0xb0: {  	[dreg:$0x3] =	wrdreg s24  }
0xb1: {  	[dreg:$0x4] =	wrdreg s18  }
0xb2: {  	[dreg:$0x5] =	wrdreg $0x9  }
0xb3: {  	_ =	task.clear_ibuf [dreg:s8], $0x6FFFF;
	_ =	strace $0x90000046  }
0xb4: {  	s29 =	simm.s32 $0x9;
	_ =	strace $0x80000048  }
0xb5: {  	_ =	swait.ge [sflag:s29], $0x1  }
0xb6: {  	[sflag:s29] =	ssyncadd.s32 $0xFFFFFFFF  }
0xb7: {  	_ =	strace $0x90000048  }
0xb8: {  	_ =	sfence  }
0xb9: {  	s30 =	sld [smem:$0x0];
	_ =	sdelay $0x2  }
0xba: {  	s31 =	sshll.u32 s1, $0xD;
	s1 =	sshrl.u32 s1, $0x2  }
0xbb: {  	s3 =	sand.u32 $0x4000, s31;
	s1 =	sadd.s32 s1, s30  }
0xbc: {  	s0 =	sor.u32 s3, s0;
	s1 =	sshll.u32 s1, $0x11  }
0xbd: {  	s0 =	sor.u32 s1, s0  }
0xbe: {  	s0 =	sadd.s32 $0x8F2B, s0  }
0xbf: {  	[sflag:s0] =	ssyncadd.remote.s32 $0x1  }
0xc0: {  	_ =	sfence.sel $0xFFFF  }
0xc1: {  	[dreg:$0x0] =	wrdreg $0xFFFFFFFF;
	(pc) =	sbr.abs _section_cstart, $3  }
0xc2: {  	[dreg:$0x1] =	wrdreg $0xFFFFFFFF  }
0xc3: {  	_ =	task.clear_ibuf [dreg:s8], $0x2FFFF;
	_ =	strace $0x9FFFFFFF  }
0xc4: {  	(tm) =	ssettm $0x7FFFFFFF  }
0xc5: {  	_ =	shalt  }
tec
execute0_lowered:
.L_overlay_start_1:
0x0: {  	(tag) =	ssettag $0x1  }
0x1: {  	s1 =	rddreg [dreg:$0x0]  }
0x2: {  	s0 =	srdreg.scid;
	s2 =	rddreg [dreg:$0x1]  }
0x3: {  	s9 =	stileid.u32;
	s4 =	rddreg [dreg:$0x2]  }
0x4: {  	s3 =	simm.s32 $0x0;
	s19 =	simm.s32 $0xEC00;
	s31 =	simm.s32 $0xF400  }
0x5: {  	s20 =	simm.s32 $0x10400;
	s13 =	simm.s32 $0x400;
	s11 =	simm.s32 $0x1C00  }
0x6: {  	s12 =	simm.s32 $0x2400;
	s22 =	simm.s32 $0x2C00;
	s14 =	simm.s32 $0x4C00  }
0x7: {  	s15 =	simm.s32 $0x5C00;
	s21 =	simm.s32 $0x6400;
	s30 =	simm.s32 $0x2  }
0x8: {  	s17 =	simm.s32 $0x4;
	s29 =	simm.s32 $0x1;
	s16 =	simm.s32 $0x3  }
0x9: {  	s28 =	simm.s32 $0x0;
	s0 =	sand.u32 $0x1, s0;
	s5 =	sshll.u32 s9, $0xB  }
0xa: {  	[smem:$0x7FF] =	sst s3;
	s9 =	sshll.u32 s9, $0x12;
	s6 =	sshll.u32 s0, $0xA  }
0xb: {  	s7 =	ssub.s32 $0x2, s0;
	_ =	strace $0x80000047;
	s5 =	sor.u32 s6, s5  }
0xc: {  	s0 =	sshll.u32 s0, $0x11;
	s23 =	sshrl.u32 s7, $0x1;
	s6 =	sshrl.u32 s5, $0x3  }
0xd: {  	s8 =	ssub.s32 s7, s23;
	s24 =	sshll.u32 s5, $0x7;
	s5 =	sadd.s32 $0x100, s1  }
0xe: {  	s7 =	sadd.s32 $0x300, s1;
	s23 =	simm.s32 $0x3400;
	s2 =	sadd.s32 s6, s2  }
0xf: {  	s6 =	sadd.s32 $0x200, s1;
	s26 =	smax.u32 s8, $0x1;
	s2 =	sadd.s32 $0x400, s2  }
0x10: {  	s8 =	simm.s32 $0x11C00;
	[dreg:$0x5] =	wrdreg s2;
	s2 =	sadd.s32 s24, s4  }
0x11: {  	[dreg:$0x9] =	wrdreg s26;
	s26 =	simm.s32 $0x5400;
	s10 =	sadd.s32 $0x1F800, s2  }
0x12: {  	s4 =	sadd.s32 s9, s4;
	s25 =	sadd.s32 $0x1C000, s2;
	[dreg:$0x6] =	wrdreg s10  }
0x13: {  	s9 =	simm.s32 $0xC00;
	s2 =	sadd.s32 $0x1DC00, s2;
	[dreg:$0x7] =	wrdreg s25  }
0x14: {  	v2 =	vlaneseq.u32;
	s24 =	simm.s32 $0x3C00;
	s0 =	sadd.s32 s0, s4;
	[dreg:$0x8] =	wrdreg s2  }
0x15: {  	vm0 =	vmmov $0xffff;
	v1 =	vshrl.u32 v2, $0x3;
	s4 =	simm.s32 $0x11400;
	[dreg:$0x4] =	wrdreg s0;
	s2 =	simm.s32 $0xFC00  }
0x16: {  	v0 =	vand.u32 $0x7, v2;
	v2 =	vor.u32 $0x8, v2;
	v1 =	vmul.u32 $0x8, v1;
	s0 =	simm.s32 $0x10C00;
	s10 =	simm.s32 $0x1400;
	s25 =	simm.s32 $0x4400  }
.LBB2_1:
0x17: {  	s18 =	rddreg [dreg:$0x5]  }
0x18: {  	[tilespmem:s3], [sflag:$0x5] =	stream.linear.gather [hbm4b:s18+s3], $0x400, $0x38;
	[tilespmem:$0x1C400] =	vst v63  }
0x19: {  	[dreg:$0xa] =	wrdreg s28;
	s18 =	simm.s32 $0x5  }
0x1a: {  	_ =	swait.ge [sflag:s18], $0x400  }
0x1b: {  	[sflag:s18] =	ssyncset.done $0x0  }
0x1c: {  	[sflag:s18] =	ssyncadd.s32 $0xFFFFFC00  }
0x1d: {  	v3 =	vld [tilespmem:$0x3F0];
	_ =	sdelay $0x4  }
0x1e: {  	v4 =	vshll.u32 v3, $0x3  }
0x1f: {  	v3 =	vand.u32 $0x7, v3;
	v4 =	vand.u32 $0xFFFFFFC0, v4  }
0x20: {  	v3 =	vor.u32 v3, v4  }
0x21: {  	v4 =	vperm.xlane v3, v0;
	_ =	sdelay $0x1  }
0x22: {  	v4 =	vadd.s32 v1, v4;
	_ =	sdelay $0x3  }
0x23: {  	s28 =	simm.s32 $0xE400  }
0x24: {  	[tilespmem:s28], [sflag:$0x2] =	stream.indirect_vreg.gather [hbm4b:s1+s3], $0x80, v4, vm0, $0xb8;
	[tilespmem:$0x1C400] =	vst v63  }
0x25: {  	v3 =	vperm.xlane v3, v2  }
0x26: {  	[tilespmem:s19], [sflag:$0x2] =	stream.indirect_vreg.gather [hbm4b:s5+s3], $0x80, v4, vm0, $0xb8;
	[tilespmem:$0x1C400] =	vst v63  }
0x27: {  	v3 =	vadd.s32 v1, v3  }
0x28: {  	[tilespmem:s31], [sflag:$0x2] =	stream.indirect_vreg.gather [hbm4b:s6+s3], $0x80, v4, vm0, $0xb8;
	[tilespmem:$0x1C400] =	vst v63  }
0x29: {  	_ = 	snop  }
0x2a: {  	[tilespmem:s2], [sflag:$0x2] =	stream.indirect_vreg.gather [hbm4b:s7+s3], $0x80, v4, vm0, $0xb8;
	[tilespmem:$0x1C400] =	vst v63  }
0x2b: {  	_ = 	snop  }
0x2c: {  	[tilespmem:s20], [sflag:$0x2] =	stream.indirect_vreg.gather [hbm4b:s1+s3], $0x80, v3, vm0, $0xb8;
	[tilespmem:$0x1C400] =	vst v63  }
0x2d: {  	_ = 	snop  }
0x2e: {  	[tilespmem:s0], [sflag:$0x2] =	stream.indirect_vreg.gather [hbm4b:s5+s3], $0x80, v3, vm0, $0xb8;
	[tilespmem:$0x1C400] =	vst v63  }
0x2f: {  	_ = 	snop  }
0x30: {  	[tilespmem:s4], [sflag:$0x2] =	stream.indirect_vreg.gather [hbm4b:s6+s3], $0x80, v3, vm0, $0xb8;
	[tilespmem:$0x1C400] =	vst v63  }
0x31: {  	_ = 	snop  }
0x32: {  	[tilespmem:s8], [sflag:$0x2] =	stream.indirect_vreg.gather [hbm4b:s7+s3], $0x80, v3, vm0, $0xb8;
	[tilespmem:$0x1C400] =	vst v63  }
0x33: {  	v3 =	vld [tilespmem:$0x0];
	_ =	sdelay $0x4  }
0x34: {  	v56 =	vshll.u32 v3, $0x3  }
0x35: {  	v3 =	vand.u32 $0x7, v3;
	v4 =	vand.u32 $0xFFFFFFC0, v56  }
0x36: {  	v3 =	vor.u32 v3, v4  }
0x37: {  	v4 =	vperm.xlane v3, v0;
	_ =	sdelay $0x1  }
0x38: {  	v4 =	vadd.s32 v1, v4;
	_ =	sdelay $0x4  }
0x39: {  	[tilespmem:s13], [sflag:$0x1] =	stream.indirect_vreg.gather [hbm4b:s1+s3], $0x80, v4, vm0, $0xb8;
	[tilespmem:$0x1C400] =	vst v63  }
0x3a: {  	v3 =	vperm.xlane v3, v2  }
0x3b: {  	[tilespmem:s9], [sflag:$0x1] =	stream.indirect_vreg.gather [hbm4b:s5+s3], $0x80, v4, vm0, $0xb8;
	[tilespmem:$0x1C400] =	vst v63  }
0x3c: {  	v3 =	vadd.s32 v1, v3  }
0x3d: {  	[tilespmem:s10], [sflag:$0x1] =	stream.indirect_vreg.gather [hbm4b:s6+s3], $0x80, v4, vm0, $0xb8;
	[tilespmem:$0x1C400] =	vst v63  }
0x3e: {  	_ = 	snop  }
0x3f: {  	[tilespmem:s11], [sflag:$0x1] =	stream.indirect_vreg.gather [hbm4b:s7+s3], $0x80, v4, vm0, $0xb8;
	[tilespmem:$0x1C400] =	vst v63  }
0x40: {  	_ = 	snop  }
0x41: {  	[tilespmem:s12], [sflag:$0x1] =	stream.indirect_vreg.gather [hbm4b:s1+s3], $0x80, v3, vm0, $0xb8;
	[tilespmem:$0x1C400] =	vst v63  }
0x42: {  	_ = 	snop  }
0x43: {  	[tilespmem:s22], [sflag:$0x1] =	stream.indirect_vreg.gather [hbm4b:s5+s3], $0x80, v3, vm0, $0xb8;
	[tilespmem:$0x1C400] =	vst v63  }
0x44: {  	_ = 	snop  }
0x45: {  	[tilespmem:s23], [sflag:$0x1] =	stream.indirect_vreg.gather [hbm4b:s6+s3], $0x80, v3, vm0, $0xb8;
	[tilespmem:$0x1C400] =	vst v63  }
0x46: {  	_ = 	snop  }
0x47: {  	[tilespmem:s24], [sflag:$0x1] =	stream.indirect_vreg.gather [hbm4b:s7+s3], $0x80, v3, vm0, $0xb8;
	[tilespmem:$0x1C400] =	vst v63  }
0x48: {  	v3 =	vld [tilespmem:$0x10];
	_ =	sdelay $0x4  }
0x49: {  	v57 =	vshll.u32 v3, $0x3  }
0x4a: {  	v3 =	vand.u32 $0x7, v3;
	v4 =	vand.u32 $0xFFFFFFC0, v57  }
0x4b: {  	v3 =	vor.u32 v3, v4  }
0x4c: {  	v4 =	vperm.xlane v3, v0;
	_ =	sdelay $0x1  }
0x4d: {  	v4 =	vadd.s32 v1, v4;
	_ =	sdelay $0x4  }
0x4e: {  	[tilespmem:s25], [sflag:$0x1] =	stream.indirect_vreg.gather [hbm4b:s1+s3], $0x80, v4, vm0, $0xb8;
	[tilespmem:$0x1C400] =	vst v63  }
0x4f: {  	v3 =	vperm.xlane v3, v2  }
0x50: {  	[tilespmem:s14], [sflag:$0x1] =	stream.indirect_vreg.gather [hbm4b:s5+s3], $0x80, v4, vm0, $0xb8;
	[tilespmem:$0x1C400] =	vst v63  }
0x51: {  	v3 =	vadd.s32 v1, v3  }
0x52: {  	[tilespmem:s26], [sflag:$0x1] =	stream.indirect_vreg.gather [hbm4b:s6+s3], $0x80, v4, vm0, $0xb8;
	[tilespmem:$0x1C400] =	vst v63  }
0x53: {  	_ = 	snop  }
0x54: {  	[tilespmem:s15], [sflag:$0x1] =	stream.indirect_vreg.gather [hbm4b:s7+s3], $0x80, v4, vm0, $0xb8;
	[tilespmem:$0x1C400] =	vst v63  }
0x55: {  	_ = 	snop  }
0x56: {  	[tilespmem:s21], [sflag:$0x1] =	stream.indirect_vreg.gather [hbm4b:s1+s3], $0x80, v3, vm0, $0xb8;
	[tilespmem:$0x1C400] =	vst v63  }
0x57: {  	s24 =	simm.s32 $0x6C00  }
0x58: {  	[tilespmem:s24], [sflag:$0x1] =	stream.indirect_vreg.gather [hbm4b:s5+s3], $0x80, v3, vm0, $0xb8;
	[tilespmem:$0x1C400] =	vst v63  }
0x59: {  	s25 =	simm.s32 $0x7400  }
0x5a: {  	[tilespmem:s25], [sflag:$0x1] =	stream.indirect_vreg.gather [hbm4b:s6+s3], $0x80, v3, vm0, $0xb8;
	[tilespmem:$0x1C400] =	vst v63  }
0x5b: {  	s26 =	simm.s32 $0x7C00  }
0x5c: {  	[tilespmem:s26], [sflag:$0x1] =	stream.indirect_vreg.gather [hbm4b:s7+s3], $0x80, v3, vm0, $0xb8;
	[tilespmem:$0x1C400] =	vst v63  }
0x5d: {  	v3 =	vld [tilespmem:$0x20];
	_ =	sdelay $0x4  }
0x5e: {  	v58 =	vshll.u32 v3, $0x3  }
0x5f: {  	v3 =	vand.u32 $0x7, v3;
	v4 =	vand.u32 $0xFFFFFFC0, v58  }
0x60: {  	v3 =	vor.u32 v3, v4  }
0x61: {  	v4 =	vperm.xlane v3, v0;
	_ =	sdelay $0x1  }
0x62: {  	v4 =	vadd.s32 v1, v4;
	_ =	sdelay $0x3  }
0x63: {  	s10 =	simm.s32 $0x8400  }
0x64: {  	[tilespmem:s10], [sflag:$0x1] =	stream.indirect_vreg.gather [hbm4b:s1+s3], $0x80, v4, vm0, $0xb8;
	[tilespmem:$0x1C400] =	vst v63  }
0x65: {  	s11 =	simm.s32 $0x8C00;
	v3 =	vperm.xlane v3, v2  }
0x66: {  	[tilespmem:s11], [sflag:$0x1] =	stream.indirect_vreg.gather [hbm4b:s5+s3], $0x80, v4, vm0, $0xb8;
	[tilespmem:$0x1C400] =	vst v63  }
0x67: {  	s12 =	simm.s32 $0x9400;
	v3 =	vadd.s32 v1, v3  }
0x68: {  	[tilespmem:s12], [sflag:$0x1] =	stream.indirect_vreg.gather [hbm4b:s6+s3], $0x80, v4, vm0, $0xb8;
	[tilespmem:$0x1C400] =	vst v63  }
0x69: {  	s13 =	simm.s32 $0x9C00  }
0x6a: {  	[tilespmem:s13], [sflag:$0x1] =	stream.indirect_vreg.gather [hbm4b:s7+s3], $0x80, v4, vm0, $0xb8;
	[tilespmem:$0x1C400] =	vst v63  }
0x6b: {  	s14 =	simm.s32 $0xA400  }
0x6c: {  	[tilespmem:s14], [sflag:$0x1] =	stream.indirect_vreg.gather [hbm4b:s1+s3], $0x80, v3, vm0, $0xb8;
	[tilespmem:$0x1C400] =	vst v63  }
0x6d: {  	s15 =	simm.s32 $0xAC00  }
0x6e: {  	[tilespmem:s15], [sflag:$0x1] =	stream.indirect_vreg.gather [hbm4b:s5+s3], $0x80, v3, vm0, $0xb8;
	[tilespmem:$0x1C400] =	vst v63  }
0x6f: {  	s18 =	simm.s32 $0xB400  }
0x70: {  	[tilespmem:s18], [sflag:$0x1] =	stream.indirect_vreg.gather [hbm4b:s6+s3], $0x80, v3, vm0, $0xb8;
	[tilespmem:$0x1C400] =	vst v63  }
0x71: {  	s21 =	simm.s32 $0xBC00  }
0x72: {  	[tilespmem:s21], [sflag:$0x1] =	stream.indirect_vreg.gather [hbm4b:s7+s3], $0x80, v3, vm0, $0xb8;
	[tilespmem:$0x1C400] =	vst v63  }
0x73: {  	v3 =	vld.msk [tilespmem:$0x30], $0xff;
	_ =	sdelay $0x4  }
0x74: {  	v59 =	vshll.u32 v3, $0x3  }
0x75: {  	v3 =	vand.u32 $0x7, v3;
	v4 =	vand.u32 $0xFFFFFFC0, v59  }
0x76: {  	v3 =	vor.u32 v3, v4  }
0x77: {  	v3 =	vperm.xlane v3, v0;
	_ =	sdelay $0x1  }
0x78: {  	v3 =	vadd.s32 v1, v3;
	_ =	sdelay $0x3  }
0x79: {  	s22 =	simm.s32 $0xC400  }
0x7a: {  	[tilespmem:s22], [sflag:$0x1] =	stream.indirect_vreg.gather [hbm4b:s1+s3], $0x80, v3, vm0, $0xb8;
	[tilespmem:$0x1C400] =	vst v63  }
0x7b: {  	s23 =	simm.s32 $0xCC00  }
0x7c: {  	[tilespmem:s23], [sflag:$0x1] =	stream.indirect_vreg.gather [hbm4b:s5+s3], $0x80, v3, vm0, $0xb8;
	[tilespmem:$0x1C400] =	vst v63  }
0x7d: {  	s24 =	simm.s32 $0xD400  }
0x7e: {  	[tilespmem:s24], [sflag:$0x1] =	stream.indirect_vreg.gather [hbm4b:s6+s3], $0x80, v3, vm0, $0xb8;
	[tilespmem:$0x1C400] =	vst v63  }
0x7f: {  	s25 =	simm.s32 $0xDC00  }
0x80: {  	[tilespmem:s25], [sflag:$0x1] =	stream.indirect_vreg.gather [hbm4b:s7+s3], $0x80, v3, vm0, $0xb8;
	[tilespmem:$0x1C400] =	vst v63  }
0x81: {  	_ =	swait.ge [sflag:s30], $0x4000  }
0x82: {  	[sflag:s30] =	ssyncset.done $0x0  }
0x83: {  	s26 =	rddreg [dreg:$0x6];
	[sflag:s30] =	ssyncadd.s32 $0xFFFFC000  }
0x84: {  	[hbm4b:s26+s3] =	stream.linear.scatter [tilespmem:s28], [sflag:$0x4], $0x4000, $0x38;
	[tilespmem:$0x1C400] =	vst v63  }
0x85: {  	_ =	swait.ge [sflag:s17], $0x4000  }
0x86: {  	[sflag:s17] =	ssyncset.done $0x0  }
0x87: {  	[sflag:s17] =	ssyncadd.s32 $0xFFFFC000  }
0x88: {  	v3 =	vld [tilespmem:$0x38];
	_ =	sdelay $0x4  }
0x89: {  	v60 =	vshll.u32 v3, $0x3  }
0x8a: {  	v3 =	vand.u32 $0x7, v3;
	v4 =	vand.u32 $0xFFFFFFC0, v60  }
0x8b: {  	v3 =	vor.u32 v3, v4  }
0x8c: {  	v4 =	vperm.xlane v3, v0;
	_ =	sdelay $0x1  }
0x8d: {  	v4 =	vadd.s32 v1, v4;
	_ =	sdelay $0x4  }
0x8e: {  	[tilespmem:s28], [sflag:$0x2] =	stream.indirect_vreg.gather [hbm4b:s1+s3], $0x80, v4, vm0, $0xb8;
	[tilespmem:$0x1C400] =	vst v63  }
0x8f: {  	v3 =	vperm.xlane v3, v2  }
0x90: {  	[tilespmem:s19], [sflag:$0x2] =	stream.indirect_vreg.gather [hbm4b:s5+s3], $0x80, v4, vm0, $0xb8;
	[tilespmem:$0x1C400] =	vst v63  }
0x91: {  	v3 =	vadd.s32 v1, v3  }
0x92: {  	[tilespmem:s31], [sflag:$0x2] =	stream.indirect_vreg.gather [hbm4b:s6+s3], $0x80, v4, vm0, $0xb8;
	[tilespmem:$0x1C400] =	vst v63  }
0x93: {  	_ = 	snop  }
0x94: {  	[tilespmem:s2], [sflag:$0x2] =	stream.indirect_vreg.gather [hbm4b:s7+s3], $0x80, v4, vm0, $0xb8;
	[tilespmem:$0x1C400] =	vst v63  }
0x95: {  	_ = 	snop  }
0x96: {  	[tilespmem:s20], [sflag:$0x2] =	stream.indirect_vreg.gather [hbm4b:s1+s3], $0x80, v3, vm0, $0xb8;
	[tilespmem:$0x1C400] =	vst v63  }
0x97: {  	_ = 	snop  }
0x98: {  	[tilespmem:s0], [sflag:$0x2] =	stream.indirect_vreg.gather [hbm4b:s5+s3], $0x80, v3, vm0, $0xb8;
	[tilespmem:$0x1C400] =	vst v63  }
0x99: {  	_ = 	snop  }
0x9a: {  	[tilespmem:s4], [sflag:$0x2] =	stream.indirect_vreg.gather [hbm4b:s6+s3], $0x80, v3, vm0, $0xb8;
	[tilespmem:$0x1C400] =	vst v63  }
0x9b: {  	_ = 	snop  }
0x9c: {  	[tilespmem:s8], [sflag:$0x2] =	stream.indirect_vreg.gather [hbm4b:s7+s3], $0x80, v3, vm0, $0xb8;
	[tilespmem:$0x1C400] =	vst v63  }
0x9d: {  	v3 =	vld [tilespmem:$0x48];
	_ =	sdelay $0x4  }
0x9e: {  	v61 =	vshll.u32 v3, $0x3  }
0x9f: {  	v3 =	vand.u32 $0x7, v3;
	v4 =	vand.u32 $0xFFFFFFC0, v61  }
0xa0: {  	v3 =	vor.u32 v3, v4  }
0xa1: {  	v4 =	vperm.xlane v3, v0;
	_ =	sdelay $0x1  }
0xa2: {  	v4 =	vadd.s32 v1, v4;
	_ =	sdelay $0x3  }
0xa3: {  	s9 =	simm.s32 $0x12400  }
0xa4: {  	[tilespmem:s9], [sflag:$0x2] =	stream.indirect_vreg.gather [hbm4b:s1+s3], $0x80, v4, vm0, $0xb8;
	[tilespmem:$0x1C400] =	vst v63  }
0xa5: {  	s10 =	simm.s32 $0x12C00;
	v3 =	vperm.xlane v3, v2  }
0xa6: {  	[tilespmem:s10], [sflag:$0x2] =	stream.indirect_vreg.gather [hbm4b:s5+s3], $0x80, v4, vm0, $0xb8;
	[tilespmem:$0x1C400] =	vst v63  }
0xa7: {  	s11 =	simm.s32 $0x13400;
	v3 =	vadd.s32 v1, v3  }
0xa8: {  	[tilespmem:s11], [sflag:$0x2] =	stream.indirect_vreg.gather [hbm4b:s6+s3], $0x80, v4, vm0, $0xb8;
	[tilespmem:$0x1C400] =	vst v63  }
0xa9: {  	s12 =	simm.s32 $0x13C00  }
0xaa: {  	[tilespmem:s12], [sflag:$0x2] =	stream.indirect_vreg.gather [hbm4b:s7+s3], $0x80, v4, vm0, $0xb8;
	[tilespmem:$0x1C400] =	vst v63  }
0xab: {  	s13 =	simm.s32 $0x14400  }
0xac: {  	[tilespmem:s13], [sflag:$0x2] =	stream.indirect_vreg.gather [hbm4b:s1+s3], $0x80, v3, vm0, $0xb8;
	[tilespmem:$0x1C400] =	vst v63  }
0xad: {  	s14 =	simm.s32 $0x14C00  }
0xae: {  	[tilespmem:s14], [sflag:$0x2] =	stream.indirect_vreg.gather [hbm4b:s5+s3], $0x80, v3, vm0, $0xb8;
	[tilespmem:$0x1C400] =	vst v63  }
0xaf: {  	s15 =	simm.s32 $0x15400  }
0xb0: {  	[tilespmem:s15], [sflag:$0x2] =	stream.indirect_vreg.gather [hbm4b:s6+s3], $0x80, v3, vm0, $0xb8;
	[tilespmem:$0x1C400] =	vst v63  }
0xb1: {  	s18 =	simm.s32 $0x15C00  }
0xb2: {  	[tilespmem:s18], [sflag:$0x2] =	stream.indirect_vreg.gather [hbm4b:s7+s3], $0x80, v3, vm0, $0xb8;
	[tilespmem:$0x1C400] =	vst v63  }
0xb3: {  	v3 =	vld [tilespmem:$0x58];
	_ =	sdelay $0x4  }
0xb4: {  	v62 =	vshll.u32 v3, $0x3  }
0xb5: {  	v3 =	vand.u32 $0x7, v3;
	v4 =	vand.u32 $0xFFFFFFC0, v62  }
0xb6: {  	v3 =	vor.u32 v3, v4  }
0xb7: {  	v4 =	vperm.xlane v3, v0;
	_ =	sdelay $0x1  }
0xb8: {  	v4 =	vadd.s32 v1, v4;
	_ =	sdelay $0x3  }
0xb9: {  	s19 =	simm.s32 $0x16400  }
0xba: {  	[tilespmem:s19], [sflag:$0x2] =	stream.indirect_vreg.gather [hbm4b:s1+s3], $0x80, v4, vm0, $0xb8;
	[tilespmem:$0x1C400] =	vst v63  }
0xbb: {  	s20 =	simm.s32 $0x16C00;
	v3 =	vperm.xlane v3, v2  }
0xbc: {  	[tilespmem:s20], [sflag:$0x2] =	stream.indirect_vreg.gather [hbm4b:s5+s3], $0x80, v4, vm0, $0xb8;
	[tilespmem:$0x1C400] =	vst v63  }
0xbd: {  	s21 =	simm.s32 $0x17400;
	v3 =	vadd.s32 v1, v3  }
0xbe: {  	[tilespmem:s21], [sflag:$0x2] =	stream.indirect_vreg.gather [hbm4b:s6+s3], $0x80, v4, vm0, $0xb8;
	[tilespmem:$0x1C400] =	vst v63  }
0xbf: {  	s22 =	simm.s32 $0x17C00  }
0xc0: {  	[tilespmem:s22], [sflag:$0x2] =	stream.indirect_vreg.gather [hbm4b:s7+s3], $0x80, v4, vm0, $0xb8;
	[tilespmem:$0x1C400] =	vst v63  }
0xc1: {  	s23 =	simm.s32 $0x18400  }
0xc2: {  	[tilespmem:s23], [sflag:$0x2] =	stream.indirect_vreg.gather [hbm4b:s1+s3], $0x80, v3, vm0, $0xb8;
	[tilespmem:$0x1C400] =	vst v63  }
0xc3: {  	s24 =	simm.s32 $0x18C00  }
0xc4: {  	[tilespmem:s24], [sflag:$0x2] =	stream.indirect_vreg.gather [hbm4b:s5+s3], $0x80, v3, vm0, $0xb8;
	[tilespmem:$0x1C400] =	vst v63  }
0xc5: {  	s25 =	simm.s32 $0x19400  }
0xc6: {  	[tilespmem:s25], [sflag:$0x2] =	stream.indirect_vreg.gather [hbm4b:s6+s3], $0x80, v3, vm0, $0xb8;
	[tilespmem:$0x1C400] =	vst v63  }
0xc7: {  	s26 =	simm.s32 $0x19C00  }
0xc8: {  	[tilespmem:s26], [sflag:$0x2] =	stream.indirect_vreg.gather [hbm4b:s7+s3], $0x80, v3, vm0, $0xb8;
	[tilespmem:$0x1C400] =	vst v63  }
0xc9: {  	v3 =	vld.msk [tilespmem:$0x68], $0xff;
	_ =	sdelay $0x4  }
0xca: {  	v63 =	vshll.u32 v3, $0x3  }
0xcb: {  	v3 =	vand.u32 $0x7, v3;
	v4 =	vand.u32 $0xFFFFFFC0, v63  }
0xcc: {  	v3 =	vor.u32 v3, v4  }
0xcd: {  	v3 =	vperm.xlane v3, v0;
	_ =	sdelay $0x1  }
0xce: {  	v3 =	vadd.s32 v1, v3;
	_ =	sdelay $0x1  }
0xcf: {  	s28 =	simm.s32 $0x5400;
	s31 =	simm.s32 $0x0;
	s2 =	simm.s32 $0xF400  }
0xd0: {  	s0 =	simm.s32 $0x10400;
	s8 =	simm.s32 $0x11400;
	s10 =	simm.s32 $0xC00  }
0xd1: {  	s11 =	simm.s32 $0x1A400;
	s12 =	simm.s32 $0x1C00;
	s14 =	simm.s32 $0x4C00  }
0xd2: {  	[tilespmem:s11], [sflag:$0x2] =	stream.indirect_vreg.gather [hbm4b:s1+s3], $0x80, v3, vm0, $0xb8;
	[tilespmem:$0x1C400] =	vst v63  }
0xd3: {  	s15 =	simm.s32 $0x5C00;
	s18 =	simm.s32 $0xD8;
	s20 =	simm.s32 $0x1AC00  }
0xd4: {  	[tilespmem:s20], [sflag:$0x2] =	stream.indirect_vreg.gather [hbm4b:s5+s3], $0x80, v3, vm0, $0xb8;
	[tilespmem:$0x1C400] =	vst v63  }
0xd5: {  	s21 =	simm.s32 $0x6400;
	s22 =	simm.s32 $0x1B400;
	s23 =	simm.s32 $0x2C00  }
0xd6: {  	[tilespmem:s22], [sflag:$0x2] =	stream.indirect_vreg.gather [hbm4b:s6+s3], $0x80, v3, vm0, $0xb8;
	[tilespmem:$0x1C400] =	vst v63  }
0xd7: {  	s24 =	simm.s32 $0x1BC00;
	s25 =	simm.s32 $0x3C00;
	s26 =	simm.s32 $0x4400  }
0xd8: {  	[tilespmem:s24], [sflag:$0x2] =	stream.indirect_vreg.gather [hbm4b:s7+s3], $0x80, v3, vm0, $0xb8;
	[tilespmem:$0x1C400] =	vst v63  }
.LBB2_2:
0xd9: {  	_ =	swait.ge [sflag:s29], $0xE000  }
0xda: {  	s19 =	rddreg [dreg:$0x4];
	[sflag:s29] =	ssyncset.done $0x0  }
0xdb: {  	s4 =	simm.s32 $0x400;
	[sflag:s29] =	ssyncadd.s32 $0xFFFF2000;
	s19 =	sadd.s32 s31, s19  }
0xdc: {  	[hbm4b:s19+s3] =	stream.linear.scatter [tilespmem:s4], [sflag:$0x3], $0xE000, $0x38;
	[tilespmem:$0x1C400] =	vst v63  }
0xdd: {  	_ =	swait.ge [sflag:s30], $0xE000  }
0xde: {  	[sflag:s30] =	ssyncset.done $0x0  }
0xdf: {  	s9 =	simm.s32 $0xE400;
	s19 =	sadd.s32 $0x1C00, s19;
	[sflag:s30] =	ssyncadd.s32 $0xFFFF2000  }
0xe0: {  	[hbm4b:s19+s3] =	stream.linear.scatter [tilespmem:s9], [sflag:$0x4], $0xE000, $0x38;
	[tilespmem:$0x1C400] =	vst v63  }
0xe1: {  	_ =	swait.ge [sflag:s16], $0xE000  }
0xe2: {  	[sflag:s16] =	ssyncset.done $0x0  }
0xe3: {  	[sflag:s16] =	ssyncadd.s32 $0xFFFF2000  }
0xe4: {  	v3 =	vld [tilespmem:s18+$0xFFFFFF98];
	_ =	sdelay $0x4  }
0xe5: {  	v4 =	vshll.u32 v3, $0x3  }
0xe6: {  	v3 =	vand.u32 $0x7, v3;
	v4 =	vand.u32 $0xFFFFFFC0, v4  }
0xe7: {  	v3 =	vor.u32 v3, v4  }
0xe8: {  	v4 =	vperm.xlane v3, v0;
	_ =	sdelay $0x1  }
0xe9: {  	v4 =	vadd.s32 v1, v4;
	_ =	sdelay $0x4  }
0xea: {  	[tilespmem:s4], [sflag:$0x1] =	stream.indirect_vreg.gather [hbm4b:s1+s3], $0x80, v4, vm0, $0xb8;
	[tilespmem:$0x1C400] =	vst v63  }
0xeb: {  	v3 =	vperm.xlane v3, v2  }
0xec: {  	[tilespmem:s10], [sflag:$0x1] =	stream.indirect_vreg.gather [hbm4b:s5+s3], $0x80, v4, vm0, $0xb8;
	[tilespmem:$0x1C400] =	vst v63  }
0xed: {  	v3 =	vadd.s32 v1, v3;
	s4 =	simm.s32 $0x1400  }
0xee: {  	[tilespmem:s4], [sflag:$0x1] =	stream.indirect_vreg.gather [hbm4b:s6+s3], $0x80, v4, vm0, $0xb8;
	[tilespmem:$0x1C400] =	vst v63  }
0xef: {  	_ = 	snop  }
0xf0: {  	[tilespmem:s12], [sflag:$0x1] =	stream.indirect_vreg.gather [hbm4b:s7+s3], $0x80, v4, vm0, $0xb8;
	[tilespmem:$0x1C400] =	vst v63  }
0xf1: {  	s4 =	simm.s32 $0x2400  }
0xf2: {  	[tilespmem:s4], [sflag:$0x1] =	stream.indirect_vreg.gather [hbm4b:s1+s3], $0x80, v3, vm0, $0xb8;
	[tilespmem:$0x1C400] =	vst v63  }
0xf3: {  	_ = 	snop  }
0xf4: {  	[tilespmem:s23], [sflag:$0x1] =	stream.indirect_vreg.gather [hbm4b:s5+s3], $0x80, v3, vm0, $0xb8;
	[tilespmem:$0x1C400] =	vst v63  }
0xf5: {  	s4 =	simm.s32 $0x3400  }
0xf6: {  	[tilespmem:s4], [sflag:$0x1] =	stream.indirect_vreg.gather [hbm4b:s6+s3], $0x80, v3, vm0, $0xb8;
	[tilespmem:$0x1C400] =	vst v63  }
0xf7: {  	_ = 	snop  }
0xf8: {  	[tilespmem:s25], [sflag:$0x1] =	stream.indirect_vreg.gather [hbm4b:s7+s3], $0x80, v3, vm0, $0xb8;
	[tilespmem:$0x1C400] =	vst v63  }
0xf9: {  	v3 =	vld [tilespmem:s18+$0xFFFFFFA8];
	_ =	sdelay $0x4  }
0xfa: {  	v57 =	vshll.u32 v3, $0x3  }
0xfb: {  	v3 =	vand.u32 $0x7, v3;
	v4 =	vand.u32 $0xFFFFFFC0, v57  }
0xfc: {  	v3 =	vor.u32 v3, v4  }
0xfd: {  	v4 =	vperm.xlane v3, v0;
	_ =	sdelay $0x1  }
0xfe: {  	v4 =	vadd.s32 v1, v4;
	_ =	sdelay $0x4  }
0xff: {  	[tilespmem:s26], [sflag:$0x1] =	stream.indirect_vreg.gather [hbm4b:s1+s3], $0x80, v4, vm0, $0xb8;
	[tilespmem:$0x1C400] =	vst v63  }
0x100: {  	v3 =	vperm.xlane v3, v2  }
0x101: {  	[tilespmem:s14], [sflag:$0x1] =	stream.indirect_vreg.gather [hbm4b:s5+s3], $0x80, v4, vm0, $0xb8;
	[tilespmem:$0x1C400] =	vst v63  }
0x102: {  	v3 =	vadd.s32 v1, v3  }
0x103: {  	[tilespmem:s28], [sflag:$0x1] =	stream.indirect_vreg.gather [hbm4b:s6+s3], $0x80, v4, vm0, $0xb8;
	[tilespmem:$0x1C400] =	vst v63  }
0x104: {  	_ = 	snop  }
0x105: {  	[tilespmem:s15], [sflag:$0x1] =	stream.indirect_vreg.gather [hbm4b:s7+s3], $0x80, v4, vm0, $0xb8;
	[tilespmem:$0x1C400] =	vst v63  }
0x106: {  	_ = 	snop  }
0x107: {  	[tilespmem:s21], [sflag:$0x1] =	stream.indirect_vreg.gather [hbm4b:s1+s3], $0x80, v3, vm0, $0xb8;
	[tilespmem:$0x1C400] =	vst v63  }
0x108: {  	s4 =	simm.s32 $0x6C00  }
0x109: {  	[tilespmem:s4], [sflag:$0x1] =	stream.indirect_vreg.gather [hbm4b:s5+s3], $0x80, v3, vm0, $0xb8;
	[tilespmem:$0x1C400] =	vst v63  }
0x10a: {  	s4 =	simm.s32 $0x7400  }
0x10b: {  	[tilespmem:s4], [sflag:$0x1] =	stream.indirect_vreg.gather [hbm4b:s6+s3], $0x80, v3, vm0, $0xb8;
	[tilespmem:$0x1C400] =	vst v63  }
0x10c: {  	s4 =	simm.s32 $0x7C00  }
0x10d: {  	[tilespmem:s4], [sflag:$0x1] =	stream.indirect_vreg.gather [hbm4b:s7+s3], $0x80, v3, vm0, $0xb8;
	[tilespmem:$0x1C400] =	vst v63  }
0x10e: {  	v3 =	vld [tilespmem:s18+$0xFFFFFFB8];
	_ =	sdelay $0x4  }
0x10f: {  	v58 =	vshll.u32 v3, $0x3  }
0x110: {  	v3 =	vand.u32 $0x7, v3;
	v4 =	vand.u32 $0xFFFFFFC0, v58  }
0x111: {  	v3 =	vor.u32 v3, v4  }
0x112: {  	v4 =	vperm.xlane v3, v0;
	_ =	sdelay $0x1  }
0x113: {  	v4 =	vadd.s32 v1, v4;
	_ =	sdelay $0x3  }
0x114: {  	s4 =	simm.s32 $0x8400  }
0x115: {  	[tilespmem:s4], [sflag:$0x1] =	stream.indirect_vreg.gather [hbm4b:s1+s3], $0x80, v4, vm0, $0xb8;
	[tilespmem:$0x1C400] =	vst v63  }
0x116: {  	v3 =	vperm.xlane v3, v2;
	s4 =	simm.s32 $0x8C00  }
0x117: {  	[tilespmem:s4], [sflag:$0x1] =	stream.indirect_vreg.gather [hbm4b:s5+s3], $0x80, v4, vm0, $0xb8;
	[tilespmem:$0x1C400] =	vst v63  }
0x118: {  	v3 =	vadd.s32 v1, v3;
	s4 =	simm.s32 $0x9400  }
0x119: {  	[tilespmem:s4], [sflag:$0x1] =	stream.indirect_vreg.gather [hbm4b:s6+s3], $0x80, v4, vm0, $0xb8;
	[tilespmem:$0x1C400] =	vst v63  }
0x11a: {  	s4 =	simm.s32 $0x9C00  }
0x11b: {  	[tilespmem:s4], [sflag:$0x1] =	stream.indirect_vreg.gather [hbm4b:s7+s3], $0x80, v4, vm0, $0xb8;
	[tilespmem:$0x1C400] =	vst v63  }
0x11c: {  	s4 =	simm.s32 $0xA400  }
0x11d: {  	[tilespmem:s4], [sflag:$0x1] =	stream.indirect_vreg.gather [hbm4b:s1+s3], $0x80, v3, vm0, $0xb8;
	[tilespmem:$0x1C400] =	vst v63  }
0x11e: {  	s4 =	simm.s32 $0xAC00  }
0x11f: {  	[tilespmem:s4], [sflag:$0x1] =	stream.indirect_vreg.gather [hbm4b:s5+s3], $0x80, v3, vm0, $0xb8;
	[tilespmem:$0x1C400] =	vst v63  }
0x120: {  	s4 =	simm.s32 $0xB400  }
0x121: {  	[tilespmem:s4], [sflag:$0x1] =	stream.indirect_vreg.gather [hbm4b:s6+s3], $0x80, v3, vm0, $0xb8;
	[tilespmem:$0x1C400] =	vst v63  }
0x122: {  	s4 =	simm.s32 $0xBC00  }
0x123: {  	[tilespmem:s4], [sflag:$0x1] =	stream.indirect_vreg.gather [hbm4b:s7+s3], $0x80, v3, vm0, $0xb8;
	[tilespmem:$0x1C400] =	vst v63  }
0x124: {  	v3 =	vld.msk [tilespmem:s18+$0xFFFFFFC8], $0xff;
	_ =	sdelay $0x4  }
0x125: {  	v59 =	vshll.u32 v3, $0x3  }
0x126: {  	v3 =	vand.u32 $0x7, v3;
	v4 =	vand.u32 $0xFFFFFFC0, v59  }
0x127: {  	v3 =	vor.u32 v3, v4  }
0x128: {  	v3 =	vperm.xlane v3, v0;
	_ =	sdelay $0x1  }
0x129: {  	v3 =	vadd.s32 v1, v3;
	_ =	sdelay $0x3  }
0x12a: {  	s4 =	simm.s32 $0xC400  }
0x12b: {  	[tilespmem:s4], [sflag:$0x1] =	stream.indirect_vreg.gather [hbm4b:s1+s3], $0x80, v3, vm0, $0xb8;
	[tilespmem:$0x1C400] =	vst v63  }
0x12c: {  	s4 =	simm.s32 $0xCC00  }
0x12d: {  	[tilespmem:s4], [sflag:$0x1] =	stream.indirect_vreg.gather [hbm4b:s5+s3], $0x80, v3, vm0, $0xb8;
	[tilespmem:$0x1C400] =	vst v63  }
0x12e: {  	s4 =	simm.s32 $0xD400  }
0x12f: {  	[tilespmem:s4], [sflag:$0x1] =	stream.indirect_vreg.gather [hbm4b:s6+s3], $0x80, v3, vm0, $0xb8;
	[tilespmem:$0x1C400] =	vst v63  }
0x130: {  	s4 =	simm.s32 $0xDC00  }
0x131: {  	[tilespmem:s4], [sflag:$0x1] =	stream.indirect_vreg.gather [hbm4b:s7+s3], $0x80, v3, vm0, $0xb8;
	[tilespmem:$0x1C400] =	vst v63  }
0x132: {  	_ =	swait.ge [sflag:s17], $0xE000  }
0x133: {  	[sflag:s17] =	ssyncset.done $0x0  }
0x134: {  	[sflag:s17] =	ssyncadd.s32 $0xFFFF2000  }
0x135: {  	v3 =	vld [tilespmem:s18+$0xFFFFFFD0];
	_ =	sdelay $0x4  }
0x136: {  	v60 =	vshll.u32 v3, $0x3  }
0x137: {  	v3 =	vand.u32 $0x7, v3;
	v4 =	vand.u32 $0xFFFFFFC0, v60  }
0x138: {  	v3 =	vor.u32 v3, v4  }
0x139: {  	v4 =	vperm.xlane v3, v0;
	_ =	sdelay $0x1  }
0x13a: {  	v4 =	vadd.s32 v1, v4;
	_ =	sdelay $0x4  }
0x13b: {  	[tilespmem:s9], [sflag:$0x2] =	stream.indirect_vreg.gather [hbm4b:s1+s3], $0x80, v4, vm0, $0xb8;
	[tilespmem:$0x1C400] =	vst v63  }
0x13c: {  	s19 =	simm.s32 $0xEC00;
	v3 =	vperm.xlane v3, v2  }
0x13d: {  	[tilespmem:s19], [sflag:$0x2] =	stream.indirect_vreg.gather [hbm4b:s5+s3], $0x80, v4, vm0, $0xb8;
	[tilespmem:$0x1C400] =	vst v63  }
0x13e: {  	v3 =	vadd.s32 v1, v3  }
0x13f: {  	[tilespmem:s2], [sflag:$0x2] =	stream.indirect_vreg.gather [hbm4b:s6+s3], $0x80, v4, vm0, $0xb8;
	[tilespmem:$0x1C400] =	vst v63  }
0x140: {  	s9 =	simm.s32 $0xFC00  }
0x141: {  	[tilespmem:s9], [sflag:$0x2] =	stream.indirect_vreg.gather [hbm4b:s7+s3], $0x80, v4, vm0, $0xb8;
	[tilespmem:$0x1C400] =	vst v63  }
0x142: {  	_ = 	snop  }
0x143: {  	[tilespmem:s0], [sflag:$0x2] =	stream.indirect_vreg.gather [hbm4b:s1+s3], $0x80, v3, vm0, $0xb8;
	[tilespmem:$0x1C400] =	vst v63  }
0x144: {  	s9 =	simm.s32 $0x10C00  }
0x145: {  	[tilespmem:s9], [sflag:$0x2] =	stream.indirect_vreg.gather [hbm4b:s5+s3], $0x80, v3, vm0, $0xb8;
	[tilespmem:$0x1C400] =	vst v63  }
0x146: {  	_ = 	snop  }
0x147: {  	[tilespmem:s8], [sflag:$0x2] =	stream.indirect_vreg.gather [hbm4b:s6+s3], $0x80, v3, vm0, $0xb8;
	[tilespmem:$0x1C400] =	vst v63  }
0x148: {  	s9 =	simm.s32 $0x11C00  }
0x149: {  	[tilespmem:s9], [sflag:$0x2] =	stream.indirect_vreg.gather [hbm4b:s7+s3], $0x80, v3, vm0, $0xb8;
	[tilespmem:$0x1C400] =	vst v63  }
0x14a: {  	v3 =	vld [tilespmem:s18+$0xFFFFFFE0];
	_ =	sdelay $0x4  }
0x14b: {  	v61 =	vshll.u32 v3, $0x3  }
0x14c: {  	v3 =	vand.u32 $0x7, v3;
	v4 =	vand.u32 $0xFFFFFFC0, v61  }
0x14d: {  	v3 =	vor.u32 v3, v4  }
0x14e: {  	v4 =	vperm.xlane v3, v0;
	_ =	sdelay $0x1  }
0x14f: {  	v4 =	vadd.s32 v1, v4;
	_ =	sdelay $0x3  }
0x150: {  	s9 =	simm.s32 $0x12400  }
0x151: {  	[tilespmem:s9], [sflag:$0x2] =	stream.indirect_vreg.gather [hbm4b:s1+s3], $0x80, v4, vm0, $0xb8;
	[tilespmem:$0x1C400] =	vst v63  }
0x152: {  	v3 =	vperm.xlane v3, v2;
	s9 =	simm.s32 $0x12C00  }
0x153: {  	[tilespmem:s9], [sflag:$0x2] =	stream.indirect_vreg.gather [hbm4b:s5+s3], $0x80, v4, vm0, $0xb8;
	[tilespmem:$0x1C400] =	vst v63  }
0x154: {  	v3 =	vadd.s32 v1, v3;
	s9 =	simm.s32 $0x13400  }
0x155: {  	[tilespmem:s9], [sflag:$0x2] =	stream.indirect_vreg.gather [hbm4b:s6+s3], $0x80, v4, vm0, $0xb8;
	[tilespmem:$0x1C400] =	vst v63  }
0x156: {  	s9 =	simm.s32 $0x13C00  }
0x157: {  	[tilespmem:s9], [sflag:$0x2] =	stream.indirect_vreg.gather [hbm4b:s7+s3], $0x80, v4, vm0, $0xb8;
	[tilespmem:$0x1C400] =	vst v63  }
0x158: {  	s9 =	simm.s32 $0x14400  }
0x159: {  	[tilespmem:s9], [sflag:$0x2] =	stream.indirect_vreg.gather [hbm4b:s1+s3], $0x80, v3, vm0, $0xb8;
	[tilespmem:$0x1C400] =	vst v63  }
0x15a: {  	s9 =	simm.s32 $0x14C00  }
0x15b: {  	[tilespmem:s9], [sflag:$0x2] =	stream.indirect_vreg.gather [hbm4b:s5+s3], $0x80, v3, vm0, $0xb8;
	[tilespmem:$0x1C400] =	vst v63  }
0x15c: {  	s9 =	simm.s32 $0x15400  }
0x15d: {  	[tilespmem:s9], [sflag:$0x2] =	stream.indirect_vreg.gather [hbm4b:s6+s3], $0x80, v3, vm0, $0xb8;
	[tilespmem:$0x1C400] =	vst v63  }
0x15e: {  	s9 =	simm.s32 $0x15C00  }
0x15f: {  	[tilespmem:s9], [sflag:$0x2] =	stream.indirect_vreg.gather [hbm4b:s7+s3], $0x80, v3, vm0, $0xb8;
	[tilespmem:$0x1C400] =	vst v63  }
0x160: {  	v3 =	vld [tilespmem:s18+$0xFFFFFFF0];
	_ =	sdelay $0x4  }
0x161: {  	v62 =	vshll.u32 v3, $0x3  }
0x162: {  	v3 =	vand.u32 $0x7, v3;
	v4 =	vand.u32 $0xFFFFFFC0, v62  }
0x163: {  	v3 =	vor.u32 v3, v4  }
0x164: {  	v4 =	vperm.xlane v3, v0;
	_ =	sdelay $0x1  }
0x165: {  	v4 =	vadd.s32 v1, v4;
	_ =	sdelay $0x3  }
0x166: {  	s9 =	simm.s32 $0x16400  }
0x167: {  	[tilespmem:s9], [sflag:$0x2] =	stream.indirect_vreg.gather [hbm4b:s1+s3], $0x80, v4, vm0, $0xb8;
	[tilespmem:$0x1C400] =	vst v63  }
0x168: {  	v3 =	vperm.xlane v3, v2;
	s9 =	simm.s32 $0x16C00  }
0x169: {  	[tilespmem:s9], [sflag:$0x2] =	stream.indirect_vreg.gather [hbm4b:s5+s3], $0x80, v4, vm0, $0xb8;
	[tilespmem:$0x1C400] =	vst v63  }
0x16a: {  	v3 =	vadd.s32 v1, v3;
	s9 =	simm.s32 $0x17400  }
0x16b: {  	[tilespmem:s9], [sflag:$0x2] =	stream.indirect_vreg.gather [hbm4b:s6+s3], $0x80, v4, vm0, $0xb8;
	[tilespmem:$0x1C400] =	vst v63  }
0x16c: {  	s9 =	simm.s32 $0x17C00  }
0x16d: {  	[tilespmem:s9], [sflag:$0x2] =	stream.indirect_vreg.gather [hbm4b:s7+s3], $0x80, v4, vm0, $0xb8;
	[tilespmem:$0x1C400] =	vst v63  }
0x16e: {  	s9 =	simm.s32 $0x18400  }
0x16f: {  	[tilespmem:s9], [sflag:$0x2] =	stream.indirect_vreg.gather [hbm4b:s1+s3], $0x80, v3, vm0, $0xb8;
	[tilespmem:$0x1C400] =	vst v63  }
0x170: {  	s9 =	simm.s32 $0x18C00  }
0x171: {  	[tilespmem:s9], [sflag:$0x2] =	stream.indirect_vreg.gather [hbm4b:s5+s3], $0x80, v3, vm0, $0xb8;
	[tilespmem:$0x1C400] =	vst v63  }
0x172: {  	s9 =	simm.s32 $0x19400  }
0x173: {  	[tilespmem:s9], [sflag:$0x2] =	stream.indirect_vreg.gather [hbm4b:s6+s3], $0x80, v3, vm0, $0xb8;
	[tilespmem:$0x1C400] =	vst v63  }
0x174: {  	s9 =	simm.s32 $0x19C00  }
0x175: {  	[tilespmem:s9], [sflag:$0x2] =	stream.indirect_vreg.gather [hbm4b:s7+s3], $0x80, v3, vm0, $0xb8;
	[tilespmem:$0x1C400] =	vst v63  }
0x176: {  	v3 =	vld.msk [tilespmem:s18+$0x0], $0xff;
	_ =	sdelay $0x4  }
0x177: {  	v63 =	vshll.u32 v3, $0x3  }
0x178: {  	v3 =	vand.u32 $0x7, v3;
	v4 =	vand.u32 $0xFFFFFFC0, v63  }
0x179: {  	v3 =	vor.u32 v3, v4  }
0x17a: {  	v3 =	vperm.xlane v3, v0;
	_ =	sdelay $0x1  }
0x17b: {  	v3 =	vadd.s32 v1, v3;
	_ =	sdelay $0x4  }
0x17c: {  	[tilespmem:s11], [sflag:$0x2] =	stream.indirect_vreg.gather [hbm4b:s1+s3], $0x80, v3, vm0, $0xb8;
	[tilespmem:$0x1C400] =	vst v63  }
0x17d: {  	p0 =	sne.s32 s31, $0x18800  }
0x17e: {  	[tilespmem:s20], [sflag:$0x2] =	stream.indirect_vreg.gather [hbm4b:s5+s3], $0x80, v3, vm0, $0xb8;
	[tilespmem:$0x1C400] =	vst v63  }
.Ltmp0:
0x17f: {  	_ = 	snop;
	(pc) =	sbr.rel @p0 .LBB2_2-.Ltmp0, $4  }
0x180: {  	s13 =	simm.s32 $0x400  }
0x181: {  	[tilespmem:s22], [sflag:$0x2] =	stream.indirect_vreg.gather [hbm4b:s6+s3], $0x80, v3, vm0, $0xb8;
	[tilespmem:$0x1C400] =	vst v63  }
0x182: {  	s31 =	sadd.s32 $0x3800, s31;
	s4 =	simm.s32 $0xE400;
	s18 =	sadd.s32 $0x70, s18  }
0x183: {  	[tilespmem:s24], [sflag:$0x2] =	stream.indirect_vreg.gather [hbm4b:s7+s3], $0x80, v3, vm0, $0xb8;
	[tilespmem:$0x1C400] =	vst v63  }
0x184: {  	_ =	swait.ge [sflag:s29], $0xE000  }
0x185: {  	[sflag:s29] =	ssyncset.done $0x0  }
0x186: {  	s18 =	rddreg [dreg:$0x7];
	[sflag:s29] =	ssyncadd.s32 $0xFFFF2000  }
0x187: {  	[hbm4b:s18+s3] =	stream.linear.scatter [tilespmem:s13], [sflag:$0x3], $0xE000, $0x38;
	[tilespmem:$0x1C400] =	vst v63  }
0x188: {  	_ =	swait.ge [sflag:s30], $0xE000  }
0x189: {  	[sflag:s30] =	ssyncset.done $0x0  }
0x18a: {  	s25 =	rddreg [dreg:$0x8];
	[sflag:s30] =	ssyncadd.s32 $0xFFFF2000  }
0x18b: {  	[hbm4b:s25+s3] =	stream.linear.scatter [tilespmem:s4], [sflag:$0x4], $0xE000, $0x38;
	[tilespmem:$0x1C400] =	vst v63  }
0x18c: {  	_ =	swait.ge [sflag:s16], $0xE000  }
0x18d: {  	[sflag:s16] =	ssyncset.done $0x0  }
0x18e: {  	[sflag:s16] =	ssyncadd.s32 $0xFFFF2000  }
0x18f: {  	s31 =	simm.s32 $0xF400;
	_ =	swait.ge [sflag:s17], $0xE000  }
0x190: {  	s2 =	simm.s32 $0xFC00;
	s20 =	simm.s32 $0x10400;
	s28 =	rddreg [dreg:$0xa]  }
0x191: {  	s0 =	simm.s32 $0x10C00;
	s26 =	rddreg [dreg:$0x9];
	s28 =	sadd.s32 $0x1, s28  }
0x192: {  	s8 =	simm.s32 $0x11C00;
	s9 =	simm.s32 $0xC00;
	p0 =	sne.s32 s28, s26  }
.Ltmp1:
0x193: {  	s10 =	simm.s32 $0x1400;
	s11 =	simm.s32 $0x1C00;
	(pc) =	sbr.rel @p0 .LBB2_1-.Ltmp1, $4  }
0x194: {  	s12 =	simm.s32 $0x2400;
	s22 =	simm.s32 $0x2C00;
	s23 =	simm.s32 $0x3400  }
0x195: {  	s24 =	simm.s32 $0x3C00;
	s14 =	simm.s32 $0x4C00;
	s15 =	simm.s32 $0x5C00  }
0x196: {  	s21 =	simm.s32 $0x6400;
	s4 =	simm.s32 $0x11400;
	[sflag:s17] =	ssyncset.done $0x0  }
0x197: {  	s25 =	simm.s32 $0x4400;
	[sflag:s17] =	ssyncadd.s32 $0xFFFF2000;
	s26 =	simm.s32 $0x5400  }
0x198: {  	_ =	sfence.sel $0x180000  }
0x199: {  	[bflag:$0x0] =	sbarrier.arrive $0xFFFF  }
0x19a: {  	_ =	strace $0x90000047  }
0x19b: {  	s0 =	stileid.u32;
	[bflag:$0x2] =	sbarrier.arrive $0xFFFF  }
0x19c: {  	p0 =	sne.s32 s0, $0x0;
	s0 =	rddreg [dreg:$0x3]  }
0x19d: {  	s0 =	sadd.s32 @!p0 $0x100000, s0  }
0x19e: {  	[sflag:s0] =	ssyncadd.tile.s32 @!p0 $0x1;
	_ =	shalt  }
.Lfunc_end2:
_tile_overlayer_lowered:
.L_overlay_start_2:
0x19f: {  	(tag) =	ssettag $0x2  }
0x1a0: {  	s0 =	rddreg [dreg:$0x0];
	s2 =	stileid.u32  }
0x1a1: {  	s1 =	rddreg [dreg:$0x1];
	p0 =	sne.s32 s2, $0x0  }
0x1a2: {  	s3 =	rddreg [dreg:$0x2];
	[bflag:$0x3] =	sbarrier.arrive $0xFFFF;
	s2 =	simm.s32 @!p0 $0x1C05  }
0x1a3: {  	[timem:s3], [sflag:s2] =	dma.local @!p0 [hbm:s0], s1  }
0x1a4: {  	s0 =	simm.s32 @!p0 $0x5  }
0x1a5: {  	_ =	swait.ge @!p0 [sflag:s0], s1  }
0x1a6: {  	s1 =	ssub.s32 @!p0 $0x0, s1;
	[sflag:s0] =	ssyncset.done @!p0 $0x0  }
0x1a7: {  	[sflag:s0] =	ssyncadd.s32 @!p0 s1  }
0x1a8: {  	[bflag:$0x3] =	sbarrier.arrive $0xFFFF  }
0x1a9: {  	_ =	shalt  }

</sc_bundles>
